<compile_context>
chip_gen: v7x
topology: tpu7x:2x2x1
jax: 0.10.2.dev20260603
libtpu: 0.0.44.dev20260713+nightly
codegen_flags: <defaults>
</compile_context>

<pallas_src>
import functools

import jax
import jax.numpy as jnp
from jax import lax
from jax.experimental import pallas as pl
from jax.experimental.pallas import tpu as pltpu
from jax.experimental.pallas import tpu_sc as plsc

N_NODES = 10000
N_EDGES = 320000
D_FEAT = 128
D_EMB = 64
N_GRAPHS = 256

NC, NS = 2, 16
NW = NC * NS
CHUNK = 128
NCHUNK = 80
NBUF = 4
RING = NCHUNK + NBUF
E_PAD = NW * NCHUNK * CHUNK
SLICE = 632
N_PAD = NS * SLICE
NCHUNK1 = E_PAD // (NS * CHUNK)
RING1 = NCHUNK1 + NBUF



def _bn_leaky(h, g, be):
    mu = jnp.mean(h, axis=0, keepdims=True)
    var = jnp.mean((h - mu) ** 2, axis=0, keepdims=True)
    h = (h - mu) / jnp.sqrt(var + 1e-5) * g + be
    return jnp.where(h >= 0, h, 0.01 * h)


def _conv(x, agg_raw, degc, ws_ref, wn_ref, b_ref, g_ref, be_ref):
    agg = agg_raw / degc
    h = (jnp.dot(x, ws_ref[...], preferred_element_type=jnp.float32)
         + jnp.dot(agg, wn_ref[...], preferred_element_type=jnp.float32)
         + b_ref[...])
    return _bn_leaky(h, g_ref[...], be_ref[...])


def _tc1_body(x_ref, acc_ref, deg_ref, ws1_ref, wn1_ref, b1_ref, g1_ref,
              be1_ref, h_ref, degc_ref):
    deg = (deg_ref[0, :N_NODES, 0:1] + deg_ref[1, :N_NODES, 0:1]) * 0.5
    degc = jnp.maximum(deg, 1.0)
    agg_raw = jnp.concatenate(
        [acc_ref[0, :N_NODES, :], acc_ref[1, :N_NODES, :]], axis=1)
    h_ref[...] = _conv(x_ref[...], agg_raw, degc, ws1_ref, wn1_ref, b1_ref,
                       g1_ref, be1_ref)
    degc_ref[...] = degc


def _tc2_body(h_ref, acc_ref, degc_ref, ws2_ref, wn2_ref, b2_ref, g2_ref,
              be2_ref, mw_ref, bidx_ref, wr_ref, br_ref, gr_ref, ber_ref,
              wo_ref, bo_ref, out_ref):
    agg_raw = acc_ref[0, :N_NODES, :] + acc_ref[1, :N_NODES, :]
    h2 = _conv(h_ref[...], agg_raw, degc_ref[...], ws2_ref, wn2_ref, b2_ref,
               g2_ref, be2_ref)
    h2 = h2 * mw_ref[...]
    gid = lax.broadcasted_iota(jnp.int32, (N_NODES, N_GRAPHS), 1)
    onehot = (bidx_ref[...] == gid).astype(jnp.float32)
    gs = lax.dot_general(onehot, h2, (((0,), (0,)), ((), ())),
                         preferred_element_type=jnp.float32,
                         precision=lax.Precision.HIGHEST)
    cnt = jnp.sum(onehot, axis=0)[:, None]
    emb = gs / jnp.maximum(cnt, 1.0)
    r = jnp.dot(emb, wr_ref[...], preferred_element_type=jnp.float32) + br_ref[...]
    r = _bn_leaky(r, gr_ref[...], ber_ref[...])
    out_ref[...] = (
        jnp.dot(r, wo_ref[...], preferred_element_type=jnp.float32) + bo_ref[...]
    )



def _edge_loop(y_hbm, sidx, didx, bufs, sems, acc_sh, nchunk,
               deg=None):
    def step(i, carry):
        j0 = i * NBUF
        gets = [pltpu.async_copy(y_hbm.at[sidx.at[j0 + b]], bufs[b], sems[b])
                for b in range(NBUF)]
        for d in gets:
            d.wait()
        puts = [pltpu.async_copy(bufs[b], acc_sh.at[didx.at[j0 + b]],
                                 sems[b], add=True)
                for b in range(NBUF)]
        if deg is not None:
            ones_v, deg_sh, dsems = deg
            degs = [pltpu.async_copy(ones_v, deg_sh.at[didx.at[j0 + b]],
                                     dsems[b], add=True)
                    for b in range(NBUF)]
        for d in puts:
            d.wait()
        if deg is not None:
            for d in degs:
                d.wait()
        return carry

    lax.fori_loop(0, nchunk // NBUF, step, 0)


def _sc1_body(*refs):
    (x2_hbm, src4_hbm, dst4_hbm, z64_hbm, z16_hbm, ones_hbm,
     acc_out, deg_out,
     sidx, didx, ones_v, *rest) = refs
    bufs = rest[:NBUF]
    sems = rest[NBUF:2 * NBUF]
    dsems = rest[2 * NBUF:3 * NBUF]
    acc_sh, deg_sh = rest[3 * NBUF], rest[3 * NBUF + 1]
    c = lax.axis_index("c")
    s = lax.axis_index("s")
    r0 = s * SLICE
    pltpu.sync_copy(z64_hbm, acc_sh.at[pl.ds(r0, SLICE)])
    pltpu.sync_copy(z16_hbm, deg_sh.at[pl.ds(r0, SLICE)])
    pltpu.sync_copy(ones_hbm, ones_v)
    pltpu.sync_copy(src4_hbm.at[c, s], sidx)
    pltpu.sync_copy(dst4_hbm.at[s], didx)
    plsc.subcore_barrier()
    _edge_loop(x2_hbm, sidx, didx, bufs, sems, acc_sh, NCHUNK1,
               deg=(ones_v, deg_sh, dsems))
    plsc.subcore_barrier()
    pltpu.sync_copy(acc_sh.at[pl.ds(r0, SLICE)],
                    acc_out.at[c, pl.ds(r0, SLICE)])
    pltpu.sync_copy(deg_sh.at[pl.ds(r0, SLICE)],
                    deg_out.at[c, pl.ds(r0, SLICE)])


def _sc2_body(*refs):
    (y_hbm, src3_hbm, dst3_hbm, z64_hbm,
     acc_out,
     sidx, didx, *rest) = refs
    bufs = rest[:NBUF]
    sems = rest[NBUF:2 * NBUF]
    acc_sh = rest[2 * NBUF]
    c = lax.axis_index("c")
    s = lax.axis_index("s")
    wid = c * NS + s
    r0 = s * SLICE
    pltpu.sync_copy(z64_hbm, acc_sh.at[pl.ds(r0, SLICE)])
    pltpu.sync_copy(src3_hbm.at[wid], sidx)
    pltpu.sync_copy(dst3_hbm.at[wid], didx)
    plsc.subcore_barrier()
    _edge_loop(y_hbm, sidx, didx, bufs, sems, acc_sh, NCHUNK)
    plsc.subcore_barrier()
    pltpu.sync_copy(acc_sh.at[pl.ds(r0, SLICE)],
                    acc_out.at[c, pl.ds(r0, SLICE)])


@functools.cache
def _sc_kernels():
    mesh = plsc.VectorSubcoreMesh(core_axis_name="c", subcore_axis_name="s",
                                  num_cores=NC, num_subcores=NS)
    params = pltpu.CompilerParams(use_tc_tiling_on_sc=False)
    sc_edges_deg = pl.kernel(
        _sc1_body,
        out_type=[jax.ShapeDtypeStruct((NC, N_PAD, D_EMB), jnp.float32),
                  jax.ShapeDtypeStruct((NC, N_PAD, 16), jnp.float32)],
        mesh=mesh,
        scratch_types=[
            pltpu.VMEM((RING1, CHUNK), jnp.int32),
            pltpu.VMEM((RING1, CHUNK), jnp.int32),
            pltpu.VMEM((CHUNK, 16), jnp.float32),
            *[pltpu.VMEM((CHUNK, D_EMB), jnp.float32) for _ in range(NBUF)],
            *[pltpu.SemaphoreType.DMA for _ in range(2 * NBUF)],
            pltpu.VMEM_SHARED((N_PAD, D_EMB), jnp.float32),
            pltpu.VMEM_SHARED((N_PAD, 16), jnp.float32),
        ],
        compiler_params=params,
    )
    sc_edges = pl.kernel(
        _sc2_body,
        out_type=jax.ShapeDtypeStruct((NC, N_PAD, D_EMB), jnp.float32),
        mesh=mesh,
        scratch_types=[
            pltpu.VMEM((RING, CHUNK), jnp.int32),
            pltpu.VMEM((RING, CHUNK), jnp.int32),
            *[pltpu.VMEM((CHUNK, D_EMB), jnp.float32) for _ in range(NBUF)],
            *[pltpu.SemaphoreType.DMA for _ in range(NBUF)],
            pltpu.VMEM_SHARED((N_PAD, D_EMB), jnp.float32),
        ],
        compiler_params=params,
    )
    return sc_edges_deg, sc_edges



def kernel(x, edge_index, batch_index, monomer_weight,
           W_self1, W_nbr1, b1, g1, be1,
           W_self2, W_nbr2, b2, g2, be2,
           Wr, br, gr, ber, Wo, bo):
    src = edge_index[0].astype(jnp.int32)
    dst = edge_index[1].astype(jnp.int32)
    pad = E_PAD - N_EDGES
    pad_rows = N_NODES + jnp.arange(pad, dtype=jnp.int32) % (N_PAD - N_NODES)
    srcp = jnp.concatenate([src, jnp.zeros((pad,), jnp.int32)])
    dstp = jnp.concatenate([dst, pad_rows])
    src3 = srcp.reshape(NCHUNK * CHUNK, NW).T.reshape(NW, NCHUNK, CHUNK)
    src3 = jnp.pad(src3, ((0, 0), (0, NBUF), (0, 0)))
    dst3 = dstp.reshape(NCHUNK * CHUNK, NW).T.reshape(NW, NCHUNK, CHUNK)
    dst3 = jnp.pad(dst3, ((0, 0), (0, NBUF), (0, 0)))
    x2 = jnp.concatenate([x[:, :D_EMB], x[:, D_EMB:]], axis=0)
    s16 = srcp.reshape(NCHUNK1 * CHUNK, NS).T.reshape(NS, NCHUNK1, CHUNK)
    s16 = jnp.pad(s16, ((0, 0), (0, NBUF), (0, 0)))
    src4 = jnp.stack([s16, s16 + N_NODES])
    dst4 = dstp.reshape(NCHUNK1 * CHUNK, NS).T.reshape(NS, NCHUNK1, CHUNK)
    dst4 = jnp.pad(dst4, ((0, 0), (0, NBUF), (0, 0)))
    bidx = batch_index.astype(jnp.int32).reshape(N_NODES, 1)
    z64 = jnp.zeros((SLICE, D_EMB), jnp.float32)
    z16 = jnp.zeros((SLICE, 16), jnp.float32)
    ones16 = jnp.ones((CHUNK, 16), jnp.float32)

    f32 = jnp.float32
    sds = jax.ShapeDtypeStruct
    tc_params = pltpu.CompilerParams(vmem_limit_bytes=100 * 1024 * 1024)

    sc_edges_deg, sc_edges = _sc_kernels()
    acc1, deg = sc_edges_deg(x2, src4, dst4, z64, z16, ones16)

    h, degc = pl.pallas_call(
        _tc1_body,
        out_shape=[sds((N_NODES, D_EMB), f32), sds((N_NODES, 1), f32)],
        compiler_params=tc_params,
    )(x, acc1, deg, W_self1, W_nbr1, b1.reshape(1, -1), g1.reshape(1, -1),
      be1.reshape(1, -1))

    acc2 = sc_edges(h, src3, dst3, z64)

    preds = pl.pallas_call(
        _tc2_body,
        out_shape=sds((N_GRAPHS, 1), f32),
        compiler_params=tc_params,
    )(h, acc2, degc, W_self2, W_nbr2, b2.reshape(1, -1), g2.reshape(1, -1),
      be2.reshape(1, -1), monomer_weight, bidx, Wr, br.reshape(1, -1),
      gr.reshape(1, -1), ber.reshape(1, -1), Wo, bo.reshape(1, -1))
    return preds.astype(jnp.float32)

# --- scband reference (transcript-rebuilt; emitter-appended) ---
"""Pipeline reference for scband-base-network-5763846111681 (READ-ONLY COPY).

The authoritative reference and input builder live on the scoring server;
editing this copy changes nothing except your own understanding.
"""

import jax, jax.numpy as jnp
import numpy as np

N_NODES = 10000
N_EDGES = 320000
D_FEAT = 128
D_EMB = 64
N_GRAPHS = 256


def setup_inputs(seed: int = 0) -> dict:
    key = jax.random.key(seed)
    ks = jax.random.split(key, 16)
    x = jax.random.normal(ks[0], (N_NODES, D_FEAT), dtype=jnp.float32)
    edge_index = jax.random.randint(ks[1], (2, N_EDGES), 0, N_NODES, dtype=jnp.int64)
    batch_index = jnp.sort(jax.random.randint(ks[2], (N_NODES,), 0, N_GRAPHS, dtype=jnp.int64))
    monomer_weight = jax.random.uniform(ks[3], (N_NODES, 1), dtype=jnp.float32)
    s1 = 1.0 / np.sqrt(D_FEAT)
    s2 = 1.0 / np.sqrt(D_EMB)
    W_self1 = jax.random.uniform(ks[4], (D_FEAT, D_EMB), jnp.float32, -s1, s1)
    W_nbr1 = jax.random.uniform(ks[5], (D_FEAT, D_EMB), jnp.float32, -s1, s1)
    b1 = jnp.zeros((D_EMB,), jnp.float32)
    g1 = jnp.ones((D_EMB,), jnp.float32)
    be1 = jnp.zeros((D_EMB,), jnp.float32)
    W_self2 = jax.random.uniform(ks[6], (D_EMB, D_EMB), jnp.float32, -s2, s2)
    W_nbr2 = jax.random.uniform(ks[7], (D_EMB, D_EMB), jnp.float32, -s2, s2)
    b2 = jnp.zeros((D_EMB,), jnp.float32)
    g2 = jnp.ones((D_EMB,), jnp.float32)
    be2 = jnp.zeros((D_EMB,), jnp.float32)
    Wr = jax.random.uniform(ks[8], (D_EMB, D_EMB // 2), jnp.float32, -s2, s2)
    br = jnp.zeros((D_EMB // 2,), jnp.float32)
    gr = jnp.ones((D_EMB // 2,), jnp.float32)
    ber = jnp.zeros((D_EMB // 2,), jnp.float32)
    sr = 1.0 / np.sqrt(D_EMB // 2)
    Wo = jax.random.uniform(ks[9], (D_EMB // 2, 1), jnp.float32, -sr, sr)
    bo = jnp.zeros((1,), jnp.float32)
    return {"x": x, "edge_index": edge_index, "batch_index": batch_index,
            "monomer_weight": monomer_weight,
            "W_self1": W_self1, "W_nbr1": W_nbr1, "b1": b1, "g1": g1, "be1": be1,
            "W_self2": W_self2, "W_nbr2": W_nbr2, "b2": b2, "g2": g2, "be2": be2,
            "Wr": Wr, "br": br, "gr": gr, "ber": ber, "Wo": Wo, "bo": bo}


def _graph_conv(x, src, dst, W_self, W_nbr, b):
    msgs = jnp.take(x, src, axis=0)
    agg = jax.ops.segment_sum(msgs, dst, num_segments=N_NODES)
    deg = jax.ops.segment_sum(jnp.ones((src.shape[0],), x.dtype), dst, num_segments=N_NODES)
    agg = agg / jnp.maximum(deg, 1.0)[:, None]
    return x @ W_self + agg @ W_nbr + b


def _batch_norm(h, gamma, beta, eps=1e-5):
    mu = jnp.mean(h, axis=0, keepdims=True)
    var = jnp.var(h, axis=0, keepdims=True)
    return (h - mu) / jnp.sqrt(var + eps) * gamma + beta


def reference(x, edge_index, batch_index, monomer_weight,
              W_self1, W_nbr1, b1, g1, be1,
              W_self2, W_nbr2, b2, g2, be2,
              Wr, br, gr, ber, Wo, bo):
    src = edge_index[0]
    dst = edge_index[1]
    h = _graph_conv(x, src, dst, W_self1, W_nbr1, b1)
    h = jax.nn.leaky_relu(_batch_norm(h, g1, be1), negative_slope=0.01)
    h = _graph_conv(h, src, dst, W_self2, W_nbr2, b2)
    h = jax.nn.leaky_relu(_batch_norm(h, g2, be2), negative_slope=0.01)
    # monomer weighting before pooling
    h = h * monomer_weight
    # global mean pool per graph
    gs = jax.ops.segment_sum(h, batch_index, num_segments=N_GRAPHS)
    cnt = jax.ops.segment_sum(jnp.ones((h.shape[0],), h.dtype), batch_index, num_segments=N_GRAPHS)
    emb = gs / jnp.maximum(cnt, 1.0)[:, None]
    # readout MLP
    r = jax.nn.leaky_relu(_batch_norm(emb @ Wr + br, gr, ber), negative_slope=0.01)
    preds = r @ Wo + bo
    return preds.astype(jnp.float32)

if __name__ == "__main__":
    import jax
    _d = setup_inputs()
    print(jax.jit(kernel)(*tuple(_d.values())))

</pallas_src>

<mosaic_0001>
#map = affine_map<(d0, d1) -> (0, 0)>
#map1 = affine_map<(d0, d1) -> (0, 0, 0, 0)>
#map2 = affine_map<(d0, d1) -> (0, 0, 0)>
module attributes {stable_mosaic.version = 14 : i64} {
  func.func @_sc1_body(%arg0: i32, %arg1: i32, %arg2: memref<20000x64xf32, #tpu.memory_space<hbm>>, %arg3: memref<2x16x164x128xi32, #tpu.memory_space<hbm>>, %arg4: memref<16x164x128xi32, #tpu.memory_space<hbm>>, %arg5: memref<632x64xf32, #tpu.memory_space<hbm>>, %arg6: memref<632x16xf32, #tpu.memory_space<hbm>>, %arg7: memref<128x16xf32, #tpu.memory_space<hbm>>, %arg8: memref<2x10112x64xf32, #tpu.memory_space<hbm>>, %arg9: memref<2x10112x16xf32, #tpu.memory_space<hbm>>, %arg10: memref<164x128xi32, #tpu.memory_space<vmem>>, %arg11: memref<164x128xi32, #tpu.memory_space<vmem>>, %arg12: memref<128x16xf32, #tpu.memory_space<vmem>>, %arg13: memref<128x64xf32, #tpu.memory_space<vmem>>, %arg14: memref<128x64xf32, #tpu.memory_space<vmem>>, %arg15: memref<128x64xf32, #tpu.memory_space<vmem>>, %arg16: memref<128x64xf32, #tpu.memory_space<vmem>>, %arg17: memref<!tpu.dma_semaphore, #tpu.memory_space<semaphore_mem>>, %arg18: memref<!tpu.dma_semaphore, #tpu.memory_space<semaphore_mem>>, %arg19: memref<!tpu.dma_semaphore, #tpu.memory_space<semaphore_mem>>, %arg20: memref<!tpu.dma_semaphore, #tpu.memory_space<semaphore_mem>>, %arg21: memref<!tpu.dma_semaphore, #tpu.memory_space<semaphore_mem>>, %arg22: memref<!tpu.dma_semaphore, #tpu.memory_space<semaphore_mem>>, %arg23: memref<!tpu.dma_semaphore, #tpu.memory_space<semaphore_mem>>, %arg24: memref<!tpu.dma_semaphore, #tpu.memory_space<semaphore_mem>>, %arg25: memref<10112x64xf32, #tpu.memory_space<vmem_shared>>, %arg26: memref<10112x16xf32, #tpu.memory_space<vmem_shared>>) attributes {dimension_semantics = [#tpu.dimension_semantics<core_parallel>, #tpu.dimension_semantics<subcore_parallel>], iteration_bounds = array<i64: 2, 16>, scalar_prefetch = 0 : i64, scratch_operands = 17 : i64, tpu.core_type = #tpu.core_type<sc_vector_subcore>, window_params = [{transform_indices = #map}, {transform_indices = #map1}, {transform_indices = #map2}, {transform_indices = #map}, {transform_indices = #map}, {transform_indices = #map}, {transform_indices = #map2}, {transform_indices = #map2}]} {
    %mul3A = arith.constant 632 : i32
    %mul3A_0 = arith.muli %arg1, %mul3A : i32
    "tpu.region"() ({
      %run_scoped3A = tpu.sem_alloc : memref<!tpu.dma_semaphore, #tpu.memory_space<semaphore_mem>>
      %dma_start3A = arith.constant 0 : i32
      %dma_start3A_7 = tpu.memref_slice %arg25[%mul3A_0, %dma_start3A] : memref<10112x64xf32, #tpu.memory_space<vmem_shared>> -> memref<632x64xf32, #tpu.memory_space<vmem_shared>>
      tpu.enqueue_dma source(%arg5 : memref<632x64xf32, #tpu.memory_space<hbm>>) target(%dma_start3A_7 : memref<632x64xf32, #tpu.memory_space<vmem_shared>>) target_semaphore(%run_scoped3A : memref<!tpu.dma_semaphore, #tpu.memory_space<semaphore_mem>>)
      %dma_wait3A = arith.constant 0 : i32
      %dma_wait3A_8 = tpu.memref_slice %arg25[%mul3A_0, %dma_wait3A] : memref<10112x64xf32, #tpu.memory_space<vmem_shared>> -> memref<632x64xf32, #tpu.memory_space<vmem_shared>>
      tpu.wait_dma2 semaphore(%run_scoped3A : memref<!tpu.dma_semaphore, #tpu.memory_space<semaphore_mem>>) src(%arg5 : memref<632x64xf32, #tpu.memory_space<hbm>>) dst(%dma_wait3A_8 : memref<632x64xf32, #tpu.memory_space<vmem_shared>>)
      tpu.yield
    }) : () -> ()
    "tpu.region"() ({
      %run_scoped3A = tpu.sem_alloc : memref<!tpu.dma_semaphore, #tpu.memory_space<semaphore_mem>>
      %dma_start3A = arith.constant 0 : i32
      %dma_start3A_7 = tpu.memref_slice %arg26[%mul3A_0, %dma_start3A] : memref<10112x16xf32, #tpu.memory_space<vmem_shared>> -> memref<632x16xf32, #tpu.memory_space<vmem_shared>>
      tpu.enqueue_dma source(%arg6 : memref<632x16xf32, #tpu.memory_space<hbm>>) target(%dma_start3A_7 : memref<632x16xf32, #tpu.memory_space<vmem_shared>>) target_semaphore(%run_scoped3A : memref<!tpu.dma_semaphore, #tpu.memory_space<semaphore_mem>>)
      %dma_wait3A = arith.constant 0 : i32
      %dma_wait3A_8 = tpu.memref_slice %arg26[%mul3A_0, %dma_wait3A] : memref<10112x16xf32, #tpu.memory_space<vmem_shared>> -> memref<632x16xf32, #tpu.memory_space<vmem_shared>>
      tpu.wait_dma2 semaphore(%run_scoped3A : memref<!tpu.dma_semaphore, #tpu.memory_space<semaphore_mem>>) src(%arg6 : memref<632x16xf32, #tpu.memory_space<hbm>>) dst(%dma_wait3A_8 : memref<632x16xf32, #tpu.memory_space<vmem_shared>>)
      tpu.yield
    }) : () -> ()
    "tpu.region"() ({
      %run_scoped3A = tpu.sem_alloc : memref<!tpu.dma_semaphore, #tpu.memory_space<semaphore_mem>>
      tpu.enqueue_dma source(%arg7 : memref<128x16xf32, #tpu.memory_space<hbm>>) target(%arg12 : memref<128x16xf32, #tpu.memory_space<vmem>>) target_semaphore(%run_scoped3A : memref<!tpu.dma_semaphore, #tpu.memory_space<semaphore_mem>>)
      tpu.wait_dma2 semaphore(%run_scoped3A : memref<!tpu.dma_semaphore, #tpu.memory_space<semaphore_mem>>) src(%arg7 : memref<128x16xf32, #tpu.memory_space<hbm>>) dst(%arg12 : memref<128x16xf32, #tpu.memory_space<vmem>>)
      tpu.yield
    }) : () -> ()
    "tpu.region"() ({
      %run_scoped3A = tpu.sem_alloc : memref<!tpu.dma_semaphore, #tpu.memory_space<semaphore_mem>>
      %dma_start3A = arith.constant 0 : i32
      %dma_start3A_7 = arith.constant 0 : i32
      %dma_start3A_8 = tpu.memref_slice %arg3[%arg0, %arg1, %dma_start3A, %dma_start3A_7] : memref<2x16x164x128xi32, #tpu.memory_space<hbm>> -> memref<1x1x164x128xi32, #tpu.memory_space<hbm>>
      %dma_start3A_9 = tpu.memref_squeeze %dma_start3A_8 : memref<1x1x164x128xi32, #tpu.memory_space<hbm>> -> memref<164x128xi32, #tpu.memory_space<hbm>>
      %dma_start3A_10 = arith.constant 0 : i32
      %dma_start3A_11 = arith.constant 0 : i32
      %dma_start3A_12 = tpu.memref_slice %arg3[%arg0, %arg1, %dma_start3A_10, %dma_start3A_11] : memref<2x16x164x128xi32, #tpu.memory_space<hbm>> -> memref<1x1x164x128xi32, #tpu.memory_space<hbm>>
      %dma_start3A_13 = tpu.memref_squeeze %dma_start3A_12 : memref<1x1x164x128xi32, #tpu.memory_space<hbm>> -> memref<164x128xi32, #tpu.memory_space<hbm>>
      tpu.enqueue_dma source(%dma_start3A_13 : memref<164x128xi32, #tpu.memory_space<hbm>>) target(%arg10 : memref<164x128xi32, #tpu.memory_space<vmem>>) target_semaphore(%run_scoped3A : memref<!tpu.dma_semaphore, #tpu.memory_space<semaphore_mem>>)
      %dma_wait3A = arith.constant 0 : i32
      %dma_wait3A_14 = arith.constant 0 : i32
      %dma_wait3A_15 = tpu.memref_slice %arg3[%arg0, %arg1, %dma_wait3A, %dma_wait3A_14] : memref<2x16x164x128xi32, #tpu.memory_space<hbm>> -> memref<1x1x164x128xi32, #tpu.memory_space<hbm>>
      %dma_wait3A_16 = tpu.memref_squeeze %dma_wait3A_15 : memref<1x1x164x128xi32, #tpu.memory_space<hbm>> -> memref<164x128xi32, #tpu.memory_space<hbm>>
      %dma_wait3A_17 = arith.constant 0 : i32
      %dma_wait3A_18 = arith.constant 0 : i32
      %dma_wait3A_19 = tpu.memref_slice %arg3[%arg0, %arg1, %dma_wait3A_17, %dma_wait3A_18] : memref<2x16x164x128xi32, #tpu.memory_space<hbm>> -> memref<1x1x164x128xi32, #tpu.memory_space<hbm>>
      %dma_wait3A_20 = tpu.memref_squeeze %dma_wait3A_19 : memref<1x1x164x128xi32, #tpu.memory_space<hbm>> -> memref<164x128xi32, #tpu.memory_space<hbm>>
      tpu.wait_dma2 semaphore(%run_scoped3A : memref<!tpu.dma_semaphore, #tpu.memory_space<semaphore_mem>>) src(%dma_wait3A_20 : memref<164x128xi32, #tpu.memory_space<hbm>>) dst(%arg10 : memref<164x128xi32, #tpu.memory_space<vmem>>)
      tpu.yield
    }) : () -> ()
    "tpu.region"() ({
      %run_scoped3A = tpu.sem_alloc : memref<!tpu.dma_semaphore, #tpu.memory_space<semaphore_mem>>
      %dma_start3A = arith.constant 0 : i32
      %dma_start3A_7 = arith.constant 0 : i32
      %dma_start3A_8 = tpu.memref_slice %arg4[%arg1, %dma_start3A, %dma_start3A_7] : memref<16x164x128xi32, #tpu.memory_space<hbm>> -> memref<1x164x128xi32, #tpu.memory_space<hbm>>
      %dma_start3A_9 = tpu.memref_squeeze %dma_start3A_8 : memref<1x164x128xi32, #tpu.memory_space<hbm>> -> memref<164x128xi32, #tpu.memory_space<hbm>>
      %dma_start3A_10 = arith.constant 0 : i32
      %dma_start3A_11 = arith.constant 0 : i32
      %dma_start3A_12 = tpu.memref_slice %arg4[%arg1, %dma_start3A_10, %dma_start3A_11] : memref<16x164x128xi32, #tpu.memory_space<hbm>> -> memref<1x164x128xi32, #tpu.memory_space<hbm>>
      %dma_start3A_13 = tpu.memref_squeeze %dma_start3A_12 : memref<1x164x128xi32, #tpu.memory_space<hbm>> -> memref<164x128xi32, #tpu.memory_space<hbm>>
      tpu.enqueue_dma source(%dma_start3A_13 : memref<164x128xi32, #tpu.memory_space<hbm>>) target(%arg11 : memref<164x128xi32, #tpu.memory_space<vmem>>) target_semaphore(%run_scoped3A : memref<!tpu.dma_semaphore, #tpu.memory_space<semaphore_mem>>)
      %dma_wait3A = arith.constant 0 : i32
      %dma_wait3A_14 = arith.constant 0 : i32
      %dma_wait3A_15 = tpu.memref_slice %arg4[%arg1, %dma_wait3A, %dma_wait3A_14] : memref<16x164x128xi32, #tpu.memory_space<hbm>> -> memref<1x164x128xi32, #tpu.memory_space<hbm>>
      %dma_wait3A_16 = tpu.memref_squeeze %dma_wait3A_15 : memref<1x164x128xi32, #tpu.memory_space<hbm>> -> memref<164x128xi32, #tpu.memory_space<hbm>>
      %dma_wait3A_17 = arith.constant 0 : i32
      %dma_wait3A_18 = arith.constant 0 : i32
      %dma_wait3A_19 = tpu.memref_slice %arg4[%arg1, %dma_wait3A_17, %dma_wait3A_18] : memref<16x164x128xi32, #tpu.memory_space<hbm>> -> memref<1x164x128xi32, #tpu.memory_space<hbm>>
      %dma_wait3A_20 = tpu.memref_squeeze %dma_wait3A_19 : memref<1x164x128xi32, #tpu.memory_space<hbm>> -> memref<164x128xi32, #tpu.memory_space<hbm>>
      tpu.wait_dma2 semaphore(%run_scoped3A : memref<!tpu.dma_semaphore, #tpu.memory_space<semaphore_mem>>) src(%dma_wait3A_20 : memref<164x128xi32, #tpu.memory_space<hbm>>) dst(%arg11 : memref<164x128xi32, #tpu.memory_space<vmem>>)
      tpu.yield
    }) : () -> ()
    %barrier3A = arith.constant 0 : index
    tpu.barrier barrier_id(%barrier3A)
    %scan3A = arith.constant 0 : i32
    %scan3A_1 = arith.constant 0 : i32
    %scan3A_2 = arith.constant 40 : i32
    %scan3A_3 = arith.addi %scan3A_1, %scan3A_2 : i32
    %scan3A_4 = arith.constant 1 : i32
    scf.for %scan3A_7 = %scan3A_1 to %scan3A_3 step %scan3A_4  : i32 {
      %mul3A_8 = arith.constant 4 : i32
      %mul3A_9 = arith.muli %scan3A_7, %mul3A_8 : i32
      %add3A = arith.constant 0 : i32
      %add3A_10 = arith.addi %mul3A_9, %add3A : i32
      %dma_start3A = arith.constant 0 : i32
      %dma_start3A_11 = tpu.memref_slice %arg10[%add3A_10, %dma_start3A] : memref<164x128xi32, #tpu.memory_space<vmem>> -> memref<1x128xi32, #tpu.memory_space<vmem>>
      %dma_start3A_12 = tpu.memref_squeeze %dma_start3A_11 : memref<1x128xi32, #tpu.memory_space<vmem>> -> memref<128xi32, #tpu.memory_space<vmem>>
      %dma_start3A_13 = arith.constant 0 : i32
      %dma_start3A_14 = arith.constant 0 : i32
      %dma_start3A_15 = tpu.memref_slice %arg2[%dma_start3A_13, %dma_start3A_14] : memref<20000x64xf32, #tpu.memory_space<hbm>> -> memref<20000x64xf32, #tpu.memory_space<hbm>>
      tpu.enqueue_indirect_dma source(%dma_start3A_15 : memref<20000x64xf32, #tpu.memory_space<hbm>>) target(%arg13 : memref<128x64xf32, #tpu.memory_space<vmem>>) offsets(%dma_start3A_12 : memref<128xi32, #tpu.memory_space<vmem>>) semaphore(%arg17 : memref<!tpu.dma_semaphore, #tpu.memory_space<semaphore_mem>>)
      %add3A_16 = arith.constant 1 : i32
      %add3A_17 = arith.addi %mul3A_9, %add3A_16 : i32
      %dma_start3A_18 = arith.constant 0 : i32
      %dma_start3A_19 = tpu.memref_slice %arg10[%add3A_17, %dma_start3A_18] : memref<164x128xi32, #tpu.memory_space<vmem>> -> memref<1x128xi32, #tpu.memory_space<vmem>>
      %dma_start3A_20 = tpu.memref_squeeze %dma_start3A_19 : memref<1x128xi32, #tpu.memory_space<vmem>> -> memref<128xi32, #tpu.memory_space<vmem>>
      %dma_start3A_21 = arith.constant 0 : i32
      %dma_start3A_22 = arith.constant 0 : i32
      %dma_start3A_23 = tpu.memref_slice %arg2[%dma_start3A_21, %dma_start3A_22] : memref<20000x64xf32, #tpu.memory_space<hbm>> -> memref<20000x64xf32, #tpu.memory_space<hbm>>
      tpu.enqueue_indirect_dma source(%dma_start3A_23 : memref<20000x64xf32, #tpu.memory_space<hbm>>) target(%arg14 : memref<128x64xf32, #tpu.memory_space<vmem>>) offsets(%dma_start3A_20 : memref<128xi32, #tpu.memory_space<vmem>>) semaphore(%arg18 : memref<!tpu.dma_semaphore, #tpu.memory_space<semaphore_mem>>)
      %add3A_24 = arith.constant 2 : i32
      %add3A_25 = arith.addi %mul3A_9, %add3A_24 : i32
      %dma_start3A_26 = arith.constant 0 : i32
      %dma_start3A_27 = tpu.memref_slice %arg10[%add3A_25, %dma_start3A_26] : memref<164x128xi32, #tpu.memory_space<vmem>> -> memref<1x128xi32, #tpu.memory_space<vmem>>
      %dma_start3A_28 = tpu.memref_squeeze %dma_start3A_27 : memref<1x128xi32, #tpu.memory_space<vmem>> -> memref<128xi32, #tpu.memory_space<vmem>>
      %dma_start3A_29 = arith.constant 0 : i32
      %dma_start3A_30 = arith.constant 0 : i32
      %dma_start3A_31 = tpu.memref_slice %arg2[%dma_start3A_29, %dma_start3A_30] : memref<20000x64xf32, #tpu.memory_space<hbm>> -> memref<20000x64xf32, #tpu.memory_space<hbm>>
      tpu.enqueue_indirect_dma source(%dma_start3A_31 : memref<20000x64xf32, #tpu.memory_space<hbm>>) target(%arg15 : memref<128x64xf32, #tpu.memory_space<vmem>>) offsets(%dma_start3A_28 : memref<128xi32, #tpu.memory_space<vmem>>) semaphore(%arg19 : memref<!tpu.dma_semaphore, #tpu.memory_space<semaphore_mem>>)
      %add3A_32 = arith.constant 3 : i32
      %add3A_33 = arith.addi %mul3A_9, %add3A_32 : i32
      %dma_start3A_34 = arith.constant 0 : i32
      %dma_start3A_35 = tpu.memref_slice %arg10[%add3A_33, %dma_start3A_34] : memref<164x128xi32, #tpu.memory_space<vmem>> -> memref<1x128xi32, #tpu.memory_space<vmem>>
      %dma_start3A_36 = tpu.memref_squeeze %dma_start3A_35 : memref<1x128xi32, #tpu.memory_space<vmem>> -> memref<128xi32, #tpu.memory_space<vmem>>
      %dma_start3A_37 = arith.constant 0 : i32
      %dma_start3A_38 = arith.constant 0 : i32
      %dma_start3A_39 = tpu.memref_slice %arg2[%dma_start3A_37, %dma_start3A_38] : memref<20000x64xf32, #tpu.memory_space<hbm>> -> memref<20000x64xf32, #tpu.memory_space<hbm>>
      tpu.enqueue_indirect_dma source(%dma_start3A_39 : memref<20000x64xf32, #tpu.memory_space<hbm>>) target(%arg16 : memref<128x64xf32, #tpu.memory_space<vmem>>) offsets(%dma_start3A_36 : memref<128xi32, #tpu.memory_space<vmem>>) semaphore(%arg20 : memref<!tpu.dma_semaphore, #tpu.memory_space<semaphore_mem>>)
      %dma_wait3A = arith.constant 0 : i32
      %dma_wait3A_40 = tpu.memref_slice %arg10[%add3A_10, %dma_wait3A] : memref<164x128xi32, #tpu.memory_space<vmem>> -> memref<1x128xi32, #tpu.memory_space<vmem>>
      %dma_wait3A_41 = tpu.memref_squeeze %dma_wait3A_40 : memref<1x128xi32, #tpu.memory_space<vmem>> -> memref<128xi32, #tpu.memory_space<vmem>>
      %dma_wait3A_42 = arith.constant 0 : i32
      %dma_wait3A_43 = arith.constant 0 : i32
      %dma_wait3A_44 = tpu.memref_slice %arg2[%dma_wait3A_42, %dma_wait3A_43] : memref<20000x64xf32, #tpu.memory_space<hbm>> -> memref<20000x64xf32, #tpu.memory_space<hbm>>
      tpu.wait_indirect_dma semaphore(%arg17 : memref<!tpu.dma_semaphore, #tpu.memory_space<semaphore_mem>>) src(%dma_wait3A_44 : memref<20000x64xf32, #tpu.memory_space<hbm>>) dst(%arg13 : memref<128x64xf32, #tpu.memory_space<vmem>>)
      %dma_wait3A_45 = arith.constant 0 : i32
      %dma_wait3A_46 = tpu.memref_slice %arg10[%add3A_17, %dma_wait3A_45] : memref<164x128xi32, #tpu.memory_space<vmem>> -> memref<1x128xi32, #tpu.memory_space<vmem>>
      %dma_wait3A_47 = tpu.memref_squeeze %dma_wait3A_46 : memref<1x128xi32, #tpu.memory_space<vmem>> -> memref<128xi32, #tpu.memory_space<vmem>>
      %dma_wait3A_48 = arith.constant 0 : i32
      %dma_wait3A_49 = arith.constant 0 : i32
      %dma_wait3A_50 = tpu.memref_slice %arg2[%dma_wait3A_48, %dma_wait3A_49] : memref<20000x64xf32, #tpu.memory_space<hbm>> -> memref<20000x64xf32, #tpu.memory_space<hbm>>
      tpu.wait_indirect_dma semaphore(%arg18 : memref<!tpu.dma_semaphore, #tpu.memory_space<semaphore_mem>>) src(%dma_wait3A_50 : memref<20000x64xf32, #tpu.memory_space<hbm>>) dst(%arg14 : memref<128x64xf32, #tpu.memory_space<vmem>>)
      %dma_wait3A_51 = arith.constant 0 : i32
      %dma_wait3A_52 = tpu.memref_slice %arg10[%add3A_25, %dma_wait3A_51] : memref<164x128xi32, #tpu.memory_space<vmem>> -> memref<1x128xi32, #tpu.memory_space<vmem>>
      %dma_wait3A_53 = tpu.memref_squeeze %dma_wait3A_52 : memref<1x128xi32, #tpu.memory_space<vmem>> -> memref<128xi32, #tpu.memory_space<vmem>>
      %dma_wait3A_54 = arith.constant 0 : i32
      %dma_wait3A_55 = arith.constant 0 : i32
      %dma_wait3A_56 = tpu.memref_slice %arg2[%dma_wait3A_54, %dma_wait3A_55] : memref<20000x64xf32, #tpu.memory_space<hbm>> -> memref<20000x64xf32, #tpu.memory_space<hbm>>
      tpu.wait_indirect_dma semaphore(%arg19 : memref<!tpu.dma_semaphore, #tpu.memory_space<semaphore_mem>>) src(%dma_wait3A_56 : memref<20000x64xf32, #tpu.memory_space<hbm>>) dst(%arg15 : memref<128x64xf32, #tpu.memory_space<vmem>>)
      %dma_wait3A_57 = arith.constant 0 : i32
      %dma_wait3A_58 = tpu.memref_slice %arg10[%add3A_33, %dma_wait3A_57] : memref<164x128xi32, #tpu.memory_space<vmem>> -> memref<1x128xi32, #tpu.memory_space<vmem>>
      %dma_wait3A_59 = tpu.memref_squeeze %dma_wait3A_58 : memref<1x128xi32, #tpu.memory_space<vmem>> -> memref<128xi32, #tpu.memory_space<vmem>>
      %dma_wait3A_60 = arith.constant 0 : i32
      %dma_wait3A_61 = arith.constant 0 : i32
      %dma_wait3A_62 = tpu.memref_slice %arg2[%dma_wait3A_60, %dma_wait3A_61] : memref<20000x64xf32, #tpu.memory_space<hbm>> -> memref<20000x64xf32, #tpu.memory_space<hbm>>
      tpu.wait_indirect_dma semaphore(%arg20 : memref<!tpu.dma_semaphore, #tpu.memory_space<semaphore_mem>>) src(%dma_wait3A_62 : memref<20000x64xf32, #tpu.memory_space<hbm>>) dst(%arg16 : memref<128x64xf32, #tpu.memory_space<vmem>>)
      %add3A_63 = arith.constant 0 : i32
      %add3A_64 = arith.addi %mul3A_9, %add3A_63 : i32
      %dma_start3A_65 = arith.constant 0 : i32
      %dma_start3A_66 = tpu.memref_slice %arg11[%add3A_64, %dma_start3A_65] : memref<164x128xi32, #tpu.memory_space<vmem>> -> memref<1x128xi32, #tpu.memory_space<vmem>>
      %dma_start3A_67 = tpu.memref_squeeze %dma_start3A_66 : memref<1x128xi32, #tpu.memory_space<vmem>> -> memref<128xi32, #tpu.memory_space<vmem>>
      %dma_start3A_68 = arith.constant 0 : i32
      %dma_start3A_69 = arith.constant 0 : i32
      %dma_start3A_70 = tpu.memref_slice %arg25[%dma_start3A_68, %dma_start3A_69] : memref<10112x64xf32, #tpu.memory_space<vmem_shared>> -> memref<10112x64xf32, #tpu.memory_space<vmem_shared>>
      tpu.enqueue_indirect_dma source(%arg13 : memref<128x64xf32, #tpu.memory_space<vmem>>) target(%dma_start3A_70 : memref<10112x64xf32, #tpu.memory_space<vmem_shared>>) offsets(%dma_start3A_67 : memref<128xi32, #tpu.memory_space<vmem>>) semaphore(%arg17 : memref<!tpu.dma_semaphore, #tpu.memory_space<semaphore_mem>>) {add = true}
      %add3A_71 = arith.constant 1 : i32
      %add3A_72 = arith.addi %mul3A_9, %add3A_71 : i32
      %dma_start3A_73 = arith.constant 0 : i32
      %dma_start3A_74 = tpu.memref_slice %arg11[%add3A_72, %dma_start3A_73] : memref<164x128xi32, #tpu.memory_space<vmem>> -> memref<1x128xi32, #tpu.memory_space<vmem>>
      %dma_start3A_75 = tpu.memref_squeeze %dma_start3A_74 : memref<1x128xi32, #tpu.memory_space<vmem>> -> memref<128xi32, #tpu.memory_space<vmem>>
      %dma_start3A_76 = arith.constant 0 : i32
      %dma_start3A_77 = arith.constant 0 : i32
      %dma_start3A_78 = tpu.memref_slice %arg25[%dma_start3A_76, %dma_start3A_77] : memref<10112x64xf32, #tpu.memory_space<vmem_shared>> -> memref<10112x64xf32, #tpu.memory_space<vmem_shared>>
      tpu.enqueue_indirect_dma source(%arg14 : memref<128x64xf32, #tpu.memory_space<vmem>>) target(%dma_start3A_78 : memref<10112x64xf32, #tpu.memory_space<vmem_shared>>) offsets(%dma_start3A_75 : memref<128xi32, #tpu.memory_space<vmem>>) semaphore(%arg18 : memref<!tpu.dma_semaphore, #tpu.memory_space<semaphore_mem>>) {add = true}
      %add3A_79 = arith.constant 2 : i32
      %add3A_80 = arith.addi %mul3A_9, %add3A_79 : i32
      %dma_start3A_81 = arith.constant 0 : i32
      %dma_start3A_82 = tpu.memref_slice %arg11[%add3A_80, %dma_start3A_81] : memref<164x128xi32, #tpu.memory_space<vmem>> -> memref<1x128xi32, #tpu.memory_space<vmem>>
      %dma_start3A_83 = tpu.memref_squeeze %dma_start3A_82 : memref<1x128xi32, #tpu.memory_space<vmem>> -> memref<128xi32, #tpu.memory_space<vmem>>
      %dma_start3A_84 = arith.constant 0 : i32
      %dma_start3A_85 = arith.constant 0 : i32
      %dma_start3A_86 = tpu.memref_slice %arg25[%dma_start3A_84, %dma_start3A_85] : memref<10112x64xf32, #tpu.memory_space<vmem_shared>> -> memref<10112x64xf32, #tpu.memory_space<vmem_shared>>
      tpu.enqueue_indirect_dma source(%arg15 : memref<128x64xf32, #tpu.memory_space<vmem>>) target(%dma_start3A_86 : memref<10112x64xf32, #tpu.memory_space<vmem_shared>>) offsets(%dma_start3A_83 : memref<128xi32, #tpu.memory_space<vmem>>) semaphore(%arg19 : memref<!tpu.dma_semaphore, #tpu.memory_space<semaphore_mem>>) {add = true}
      %add3A_87 = arith.constant 3 : i32
      %add3A_88 = arith.addi %mul3A_9, %add3A_87 : i32
      %dma_start3A_89 = arith.constant 0 : i32
      %dma_start3A_90 = tpu.memref_slice %arg11[%add3A_88, %dma_start3A_89] : memref<164x128xi32, #tpu.memory_space<vmem>> -> memref<1x128xi32, #tpu.memory_space<vmem>>
      %dma_start3A_91 = tpu.memref_squeeze %dma_start3A_90 : memref<1x128xi32, #tpu.memory_space<vmem>> -> memref<128xi32, #tpu.memory_space<vmem>>
      %dma_start3A_92 = arith.constant 0 : i32
      %dma_start3A_93 = arith.constant 0 : i32
      %dma_start3A_94 = tpu.memref_slice %arg25[%dma_start3A_92, %dma_start3A_93] : memref<10112x64xf32, #tpu.memory_space<vmem_shared>> -> memref<10112x64xf32, #tpu.memory_space<vmem_shared>>
      tpu.enqueue_indirect_dma source(%arg16 : memref<128x64xf32, #tpu.memory_space<vmem>>) target(%dma_start3A_94 : memref<10112x64xf32, #tpu.memory_space<vmem_shared>>) offsets(%dma_start3A_91 : memref<128xi32, #tpu.memory_space<vmem>>) semaphore(%arg20 : memref<!tpu.dma_semaphore, #tpu.memory_space<semaphore_mem>>) {add = true}
      %add3A_95 = arith.constant 0 : i32
      %add3A_96 = arith.addi %mul3A_9, %add3A_95 : i32
      %dma_start3A_97 = arith.constant 0 : i32
      %dma_start3A_98 = tpu.memref_slice %arg11[%add3A_96, %dma_start3A_97] : memref<164x128xi32, #tpu.memory_space<vmem>> -> memref<1x128xi32, #tpu.memory_space<vmem>>
      %dma_start3A_99 = tpu.memref_squeeze %dma_start3A_98 : memref<1x128xi32, #tpu.memory_space<vmem>> -> memref<128xi32, #tpu.memory_space<vmem>>
      %dma_start3A_100 = arith.constant 0 : i32
      %dma_start3A_101 = arith.constant 0 : i32
      %dma_start3A_102 = tpu.memref_slice %arg26[%dma_start3A_100, %dma_start3A_101] : memref<10112x16xf32, #tpu.memory_space<vmem_shared>> -> memref<10112x16xf32, #tpu.memory_space<vmem_shared>>
      tpu.enqueue_indirect_dma source(%arg12 : memref<128x16xf32, #tpu.memory_space<vmem>>) target(%dma_start3A_102 : memref<10112x16xf32, #tpu.memory_space<vmem_shared>>) offsets(%dma_start3A_99 : memref<128xi32, #tpu.memory_space<vmem>>) semaphore(%arg21 : memref<!tpu.dma_semaphore, #tpu.memory_space<semaphore_mem>>) {add = true}
      %add3A_103 = arith.constant 1 : i32
      %add3A_104 = arith.addi %mul3A_9, %add3A_103 : i32
      %dma_start3A_105 = arith.constant 0 : i32
      %dma_start3A_106 = tpu.memref_slice %arg11[%add3A_104, %dma_start3A_105] : memref<164x128xi32, #tpu.memory_space<vmem>> -> memref<1x128xi32, #tpu.memory_space<vmem>>
      %dma_start3A_107 = tpu.memref_squeeze %dma_start3A_106 : memref<1x128xi32, #tpu.memory_space<vmem>> -> memref<128xi32, #tpu.memory_space<vmem>>
      %dma_start3A_108 = arith.constant 0 : i32
      %dma_start3A_109 = arith.constant 0 : i32
      %dma_start3A_110 = tpu.memref_slice %arg26[%dma_start3A_108, %dma_start3A_109] : memref<10112x16xf32, #tpu.memory_space<vmem_shared>> -> memref<10112x16xf32, #tpu.memory_space<vmem_shared>>
      tpu.enqueue_indirect_dma source(%arg12 : memref<128x16xf32, #tpu.memory_space<vmem>>) target(%dma_start3A_110 : memref<10112x16xf32, #tpu.memory_space<vmem_shared>>) offsets(%dma_start3A_107 : memref<128xi32, #tpu.memory_space<vmem>>) semaphore(%arg22 : memref<!tpu.dma_semaphore, #tpu.memory_space<semaphore_mem>>) {add = true}
      %add3A_111 = arith.constant 2 : i32
      %add3A_112 = arith.addi %mul3A_9, %add3A_111 : i32
      %dma_start3A_113 = arith.constant 0 : i32
      %dma_start3A_114 = tpu.memref_slice %arg11[%add3A_112, %dma_start3A_113] : memref<164x128xi32, #tpu.memory_space<vmem>> -> memref<1x128xi32, #tpu.memory_space<vmem>>
      %dma_start3A_115 = tpu.memref_squeeze %dma_start3A_114 : memref<1x128xi32, #tpu.memory_space<vmem>> -> memref<128xi32, #tpu.memory_space<vmem>>
      %dma_start3A_116 = arith.constant 0 : i32
      %dma_start3A_117 = arith.constant 0 : i32
      %dma_start3A_118 = tpu.memref_slice %arg26[%dma_start3A_116, %dma_start3A_117] : memref<10112x16xf32, #tpu.memory_space<vmem_shared>> -> memref<10112x16xf32, #tpu.memory_space<vmem_shared>>
      tpu.enqueue_indirect_dma source(%arg12 : memref<128x16xf32, #tpu.memory_space<vmem>>) target(%dma_start3A_118 : memref<10112x16xf32, #tpu.memory_space<vmem_shared>>) offsets(%dma_start3A_115 : memref<128xi32, #tpu.memory_space<vmem>>) semaphore(%arg23 : memref<!tpu.dma_semaphore, #tpu.memory_space<semaphore_mem>>) {add = true}
      %add3A_119 = arith.constant 3 : i32
      %add3A_120 = arith.addi %mul3A_9, %add3A_119 : i32
      %dma_start3A_121 = arith.constant 0 : i32
      %dma_start3A_122 = tpu.memref_slice %arg11[%add3A_120, %dma_start3A_121] : memref<164x128xi32, #tpu.memory_space<vmem>> -> memref<1x128xi32, #tpu.memory_space<vmem>>
      %dma_start3A_123 = tpu.memref_squeeze %dma_start3A_122 : memref<1x128xi32, #tpu.memory_space<vmem>> -> memref<128xi32, #tpu.memory_space<vmem>>
      %dma_start3A_124 = arith.constant 0 : i32
      %dma_start3A_125 = arith.constant 0 : i32
      %dma_start3A_126 = tpu.memref_slice %arg26[%dma_start3A_124, %dma_start3A_125] : memref<10112x16xf32, #tpu.memory_space<vmem_shared>> -> memref<10112x16xf32, #tpu.memory_space<vmem_shared>>
      tpu.enqueue_indirect_dma source(%arg12 : memref<128x16xf32, #tpu.memory_space<vmem>>) target(%dma_start3A_126 : memref<10112x16xf32, #tpu.memory_space<vmem_shared>>) offsets(%dma_start3A_123 : memref<128xi32, #tpu.memory_space<vmem>>) semaphore(%arg24 : memref<!tpu.dma_semaphore, #tpu.memory_space<semaphore_mem>>) {add = true}
      %dma_wait3A_127 = arith.constant 0 : i32
      %dma_wait3A_128 = tpu.memref_slice %arg11[%add3A_64, %dma_wait3A_127] : memref<164x128xi32, #tpu.memory_space<vmem>> -> memref<1x128xi32, #tpu.memory_space<vmem>>
      %dma_wait3A_129 = tpu.memref_squeeze %dma_wait3A_128 : memref<1x128xi32, #tpu.memory_space<vmem>> -> memref<128xi32, #tpu.memory_space<vmem>>
      %dma_wait3A_130 = arith.constant 0 : i32
      %dma_wait3A_131 = arith.constant 0 : i32
      %dma_wait3A_132 = tpu.memref_slice %arg25[%dma_wait3A_130, %dma_wait3A_131] : memref<10112x64xf32, #tpu.memory_space<vmem_shared>> -> memref<10112x64xf32, #tpu.memory_space<vmem_shared>>
      tpu.wait_indirect_dma semaphore(%arg17 : memref<!tpu.dma_semaphore, #tpu.memory_space<semaphore_mem>>) src(%arg13 : memref<128x64xf32, #tpu.memory_space<vmem>>) dst(%dma_wait3A_132 : memref<10112x64xf32, #tpu.memory_space<vmem_shared>>)
      %dma_wait3A_133 = arith.constant 0 : i32
      %dma_wait3A_134 = tpu.memref_slice %arg11[%add3A_72, %dma_wait3A_133] : memref<164x128xi32, #tpu.memory_space<vmem>> -> memref<1x128xi32, #tpu.memory_space<vmem>>
      %dma_wait3A_135 = tpu.memref_squeeze %dma_wait3A_134 : memref<1x128xi32, #tpu.memory_space<vmem>> -> memref<128xi32, #tpu.memory_space<vmem>>
      %dma_wait3A_136 = arith.constant 0 : i32
      %dma_wait3A_137 = arith.constant 0 : i32
      %dma_wait3A_138 = tpu.memref_slice %arg25[%dma_wait3A_136, %dma_wait3A_137] : memref<10112x64xf32, #tpu.memory_space<vmem_shared>> -> memref<10112x64xf32, #tpu.memory_space<vmem_shared>>
      tpu.wait_indirect_dma semaphore(%arg18 : memref<!tpu.dma_semaphore, #tpu.memory_space<semaphore_mem>>) src(%arg14 : memref<128x64xf32, #tpu.memory_space<vmem>>) dst(%dma_wait3A_138 : memref<10112x64xf32, #tpu.memory_space<vmem_shared>>)
      %dma_wait3A_139 = arith.constant 0 : i32
      %dma_wait3A_140 = tpu.memref_slice %arg11[%add3A_80, %dma_wait3A_139] : memref<164x128xi32, #tpu.memory_space<vmem>> -> memref<1x128xi32, #tpu.memory_space<vmem>>
      %dma_wait3A_141 = tpu.memref_squeeze %dma_wait3A_140 : memref<1x128xi32, #tpu.memory_space<vmem>> -> memref<128xi32, #tpu.memory_space<vmem>>
      %dma_wait3A_142 = arith.constant 0 : i32
      %dma_wait3A_143 = arith.constant 0 : i32
      %dma_wait3A_144 = tpu.memref_slice %arg25[%dma_wait3A_142, %dma_wait3A_143] : memref<10112x64xf32, #tpu.memory_space<vmem_shared>> -> memref<10112x64xf32, #tpu.memory_space<vmem_shared>>
      tpu.wait_indirect_dma semaphore(%arg19 : memref<!tpu.dma_semaphore, #tpu.memory_space<semaphore_mem>>) src(%arg15 : memref<128x64xf32, #tpu.memory_space<vmem>>) dst(%dma_wait3A_144 : memref<10112x64xf32, #tpu.memory_space<vmem_shared>>)
      %dma_wait3A_145 = arith.constant 0 : i32
      %dma_wait3A_146 = tpu.memref_slice %arg11[%add3A_88, %dma_wait3A_145] : memref<164x128xi32, #tpu.memory_space<vmem>> -> memref<1x128xi32, #tpu.memory_space<vmem>>
      %dma_wait3A_147 = tpu.memref_squeeze %dma_wait3A_146 : memref<1x128xi32, #tpu.memory_space<vmem>> -> memref<128xi32, #tpu.memory_space<vmem>>
      %dma_wait3A_148 = arith.constant 0 : i32
      %dma_wait3A_149 = arith.constant 0 : i32
      %dma_wait3A_150 = tpu.memref_slice %arg25[%dma_wait3A_148, %dma_wait3A_149] : memref<10112x64xf32, #tpu.memory_space<vmem_shared>> -> memref<10112x64xf32, #tpu.memory_space<vmem_shared>>
      tpu.wait_indirect_dma semaphore(%arg20 : memref<!tpu.dma_semaphore, #tpu.memory_space<semaphore_mem>>) src(%arg16 : memref<128x64xf32, #tpu.memory_space<vmem>>) dst(%dma_wait3A_150 : memref<10112x64xf32, #tpu.memory_space<vmem_shared>>)
      %dma_wait3A_151 = arith.constant 0 : i32
      %dma_wait3A_152 = tpu.memref_slice %arg11[%add3A_96, %dma_wait3A_151] : memref<164x128xi32, #tpu.memory_space<vmem>> -> memref<1x128xi32, #tpu.memory_space<vmem>>
      %dma_wait3A_153 = tpu.memref_squeeze %dma_wait3A_152 : memref<1x128xi32, #tpu.memory_space<vmem>> -> memref<128xi32, #tpu.memory_space<vmem>>
      %dma_wait3A_154 = arith.constant 0 : i32
      %dma_wait3A_155 = arith.constant 0 : i32
      %dma_wait3A_156 = tpu.memref_slice %arg26[%dma_wait3A_154, %dma_wait3A_155] : memref<10112x16xf32, #tpu.memory_space<vmem_shared>> -> memref<10112x16xf32, #tpu.memory_space<vmem_shared>>
      tpu.wait_indirect_dma semaphore(%arg21 : memref<!tpu.dma_semaphore, #tpu.memory_space<semaphore_mem>>) src(%arg12 : memref<128x16xf32, #tpu.memory_space<vmem>>) dst(%dma_wait3A_156 : memref<10112x16xf32, #tpu.memory_space<vmem_shared>>)
      %dma_wait3A_157 = arith.constant 0 : i32
      %dma_wait3A_158 = tpu.memref_slice %arg11[%add3A_104, %dma_wait3A_157] : memref<164x128xi32, #tpu.memory_space<vmem>> -> memref<1x128xi32, #tpu.memory_space<vmem>>
      %dma_wait3A_159 = tpu.memref_squeeze %dma_wait3A_158 : memref<1x128xi32, #tpu.memory_space<vmem>> -> memref<128xi32, #tpu.memory_space<vmem>>
      %dma_wait3A_160 = arith.constant 0 : i32
      %dma_wait3A_161 = arith.constant 0 : i32
      %dma_wait3A_162 = tpu.memref_slice %arg26[%dma_wait3A_160, %dma_wait3A_161] : memref<10112x16xf32, #tpu.memory_space<vmem_shared>> -> memref<10112x16xf32, #tpu.memory_space<vmem_shared>>
      tpu.wait_indirect_dma semaphore(%arg22 : memref<!tpu.dma_semaphore, #tpu.memory_space<semaphore_mem>>) src(%arg12 : memref<128x16xf32, #tpu.memory_space<vmem>>) dst(%dma_wait3A_162 : memref<10112x16xf32, #tpu.memory_space<vmem_shared>>)
      %dma_wait3A_163 = arith.constant 0 : i32
      %dma_wait3A_164 = tpu.memref_slice %arg11[%add3A_112, %dma_wait3A_163] : memref<164x128xi32, #tpu.memory_space<vmem>> -> memref<1x128xi32, #tpu.memory_space<vmem>>
      %dma_wait3A_165 = tpu.memref_squeeze %dma_wait3A_164 : memref<1x128xi32, #tpu.memory_space<vmem>> -> memref<128xi32, #tpu.memory_space<vmem>>
      %dma_wait3A_166 = arith.constant 0 : i32
      %dma_wait3A_167 = arith.constant 0 : i32
      %dma_wait3A_168 = tpu.memref_slice %arg26[%dma_wait3A_166, %dma_wait3A_167] : memref<10112x16xf32, #tpu.memory_space<vmem_shared>> -> memref<10112x16xf32, #tpu.memory_space<vmem_shared>>
      tpu.wait_indirect_dma semaphore(%arg23 : memref<!tpu.dma_semaphore, #tpu.memory_space<semaphore_mem>>) src(%arg12 : memref<128x16xf32, #tpu.memory_space<vmem>>) dst(%dma_wait3A_168 : memref<10112x16xf32, #tpu.memory_space<vmem_shared>>)
      %dma_wait3A_169 = arith.constant 0 : i32
      %dma_wait3A_170 = tpu.memref_slice %arg11[%add3A_120, %dma_wait3A_169] : memref<164x128xi32, #tpu.memory_space<vmem>> -> memref<1x128xi32, #tpu.memory_space<vmem>>
      %dma_wait3A_171 = tpu.memref_squeeze %dma_wait3A_170 : memref<1x128xi32, #tpu.memory_space<vmem>> -> memref<128xi32, #tpu.memory_space<vmem>>
      %dma_wait3A_172 = arith.constant 0 : i32
      %dma_wait3A_173 = arith.constant 0 : i32
      %dma_wait3A_174 = tpu.memref_slice %arg26[%dma_wait3A_172, %dma_wait3A_173] : memref<10112x16xf32, #tpu.memory_space<vmem_shared>> -> memref<10112x16xf32, #tpu.memory_space<vmem_shared>>
      tpu.wait_indirect_dma semaphore(%arg24 : memref<!tpu.dma_semaphore, #tpu.memory_space<semaphore_mem>>) src(%arg12 : memref<128x16xf32, #tpu.memory_space<vmem>>) dst(%dma_wait3A_174 : memref<10112x16xf32, #tpu.memory_space<vmem_shared>>)
    }
    %scan3A_5 = arith.constant 40 : i32
    %barrier3A_6 = arith.constant 0 : index
    tpu.barrier barrier_id(%barrier3A_6)
    "tpu.region"() ({
      %run_scoped3A = tpu.sem_alloc : memref<!tpu.dma_semaphore, #tpu.memory_space<semaphore_mem>>
      %dma_start3A = arith.constant 0 : i32
      %dma_start3A_7 = tpu.memref_slice %arg8[%arg0, %mul3A_0, %dma_start3A] : memref<2x10112x64xf32, #tpu.memory_space<hbm>> -> memref<1x632x64xf32, #tpu.memory_space<hbm>>
      %dma_start3A_8 = tpu.memref_squeeze %dma_start3A_7 : memref<1x632x64xf32, #tpu.memory_space<hbm>> -> memref<632x64xf32, #tpu.memory_space<hbm>>
      %dma_start3A_9 = arith.constant 0 : i32
      %dma_start3A_10 = tpu.memref_slice %arg25[%mul3A_0, %dma_start3A_9] : memref<10112x64xf32, #tpu.memory_space<vmem_shared>> -> memref<632x64xf32, #tpu.memory_space<vmem_shared>>
      tpu.enqueue_dma source(%dma_start3A_10 : memref<632x64xf32, #tpu.memory_space<vmem_shared>>) target(%dma_start3A_8 : memref<632x64xf32, #tpu.memory_space<hbm>>) target_semaphore(%run_scoped3A : memref<!tpu.dma_semaphore, #tpu.memory_space<semaphore_mem>>)
      %dma_wait3A = arith.constant 0 : i32
      %dma_wait3A_11 = tpu.memref_slice %arg8[%arg0, %mul3A_0, %dma_wait3A] : memref<2x10112x64xf32, #tpu.memory_space<hbm>> -> memref<1x632x64xf32, #tpu.memory_space<hbm>>
      %dma_wait3A_12 = tpu.memref_squeeze %dma_wait3A_11 : memref<1x632x64xf32, #tpu.memory_space<hbm>> -> memref<632x64xf32, #tpu.memory_space<hbm>>
      %dma_wait3A_13 = arith.constant 0 : i32
      %dma_wait3A_14 = tpu.memref_slice %arg25[%mul3A_0, %dma_wait3A_13] : memref<10112x64xf32, #tpu.memory_space<vmem_shared>> -> memref<632x64xf32, #tpu.memory_space<vmem_shared>>
      tpu.wait_dma2 semaphore(%run_scoped3A : memref<!tpu.dma_semaphore, #tpu.memory_space<semaphore_mem>>) src(%dma_wait3A_14 : memref<632x64xf32, #tpu.memory_space<vmem_shared>>) dst(%dma_wait3A_12 : memref<632x64xf32, #tpu.memory_space<hbm>>)
      tpu.yield
    }) : () -> ()
    "tpu.region"() ({
      %run_scoped3A = tpu.sem_alloc : memref<!tpu.dma_semaphore, #tpu.memory_space<semaphore_mem>>
      %dma_start3A = arith.constant 0 : i32
      %dma_start3A_7 = tpu.memref_slice %arg9[%arg0, %mul3A_0, %dma_start3A] : memref<2x10112x16xf32, #tpu.memory_space<hbm>> -> memref<1x632x16xf32, #tpu.memory_space<hbm>>
      %dma_start3A_8 = tpu.memref_squeeze %dma_start3A_7 : memref<1x632x16xf32, #tpu.memory_space<hbm>> -> memref<632x16xf32, #tpu.memory_space<hbm>>
      %dma_start3A_9 = arith.constant 0 : i32
      %dma_start3A_10 = tpu.memref_slice %arg26[%mul3A_0, %dma_start3A_9] : memref<10112x16xf32, #tpu.memory_space<vmem_shared>> -> memref<632x16xf32, #tpu.memory_space<vmem_shared>>
      tpu.enqueue_dma source(%dma_start3A_10 : memref<632x16xf32, #tpu.memory_space<vmem_shared>>) target(%dma_start3A_8 : memref<632x16xf32, #tpu.memory_space<hbm>>) target_semaphore(%run_scoped3A : memref<!tpu.dma_semaphore, #tpu.memory_space<semaphore_mem>>)
      %dma_wait3A = arith.constant 0 : i32
      %dma_wait3A_11 = tpu.memref_slice %arg9[%arg0, %mul3A_0, %dma_wait3A] : memref<2x10112x16xf32, #tpu.memory_space<hbm>> -> memref<1x632x16xf32, #tpu.memory_space<hbm>>
      %dma_wait3A_12 = tpu.memref_squeeze %dma_wait3A_11 : memref<1x632x16xf32, #tpu.memory_space<hbm>> -> memref<632x16xf32, #tpu.memory_space<hbm>>
      %dma_wait3A_13 = arith.constant 0 : i32
      %dma_wait3A_14 = tpu.memref_slice %arg26[%mul3A_0, %dma_wait3A_13] : memref<10112x16xf32, #tpu.memory_space<vmem_shared>> -> memref<632x16xf32, #tpu.memory_space<vmem_shared>>
      tpu.wait_dma2 semaphore(%run_scoped3A : memref<!tpu.dma_semaphore, #tpu.memory_space<semaphore_mem>>) src(%dma_wait3A_14 : memref<632x16xf32, #tpu.memory_space<vmem_shared>>) dst(%dma_wait3A_12 : memref<632x16xf32, #tpu.memory_space<hbm>>)
      tpu.yield
    }) : () -> ()
    return
  }
}

#map = affine_map<(d0, d1) -> (0, 0)>
#map1 = affine_map<(d0, d1) -> (0, 0, 0)>
module attributes {stable_mosaic.version = 14 : i64} {
  func.func @_sc2_body(%arg0: i32, %arg1: i32, %arg2: memref<10000x64xf32, #tpu.memory_space<hbm>>, %arg3: memref<32x84x128xi32, #tpu.memory_space<hbm>>, %arg4: memref<32x84x128xi32, #tpu.memory_space<hbm>>, %arg5: memref<632x64xf32, #tpu.memory_space<hbm>>, %arg6: memref<2x10112x64xf32, #tpu.memory_space<hbm>>, %arg7: memref<84x128xi32, #tpu.memory_space<vmem>>, %arg8: memref<84x128xi32, #tpu.memory_space<vmem>>, %arg9: memref<128x64xf32, #tpu.memory_space<vmem>>, %arg10: memref<128x64xf32, #tpu.memory_space<vmem>>, %arg11: memref<128x64xf32, #tpu.memory_space<vmem>>, %arg12: memref<128x64xf32, #tpu.memory_space<vmem>>, %arg13: memref<!tpu.dma_semaphore, #tpu.memory_space<semaphore_mem>>, %arg14: memref<!tpu.dma_semaphore, #tpu.memory_space<semaphore_mem>>, %arg15: memref<!tpu.dma_semaphore, #tpu.memory_space<semaphore_mem>>, %arg16: memref<!tpu.dma_semaphore, #tpu.memory_space<semaphore_mem>>, %arg17: memref<10112x64xf32, #tpu.memory_space<vmem_shared>>) attributes {dimension_semantics = [#tpu.dimension_semantics<core_parallel>, #tpu.dimension_semantics<subcore_parallel>], iteration_bounds = array<i64: 2, 16>, scalar_prefetch = 0 : i64, scratch_operands = 11 : i64, tpu.core_type = #tpu.core_type<sc_vector_subcore>, window_params = [{transform_indices = #map}, {transform_indices = #map1}, {transform_indices = #map1}, {transform_indices = #map}, {transform_indices = #map1}]} {
    %mul3A = arith.constant 16 : i32
    %mul3A_0 = arith.muli %arg0, %mul3A : i32
    %add3A = arith.addi %mul3A_0, %arg1 : i32
    %mul3A_1 = arith.constant 632 : i32
    %mul3A_2 = arith.muli %arg1, %mul3A_1 : i32
    "tpu.region"() ({
      %run_scoped3A = tpu.sem_alloc : memref<!tpu.dma_semaphore, #tpu.memory_space<semaphore_mem>>
      %dma_start3A = arith.constant 0 : i32
      %dma_start3A_9 = tpu.memref_slice %arg17[%mul3A_2, %dma_start3A] : memref<10112x64xf32, #tpu.memory_space<vmem_shared>> -> memref<632x64xf32, #tpu.memory_space<vmem_shared>>
      tpu.enqueue_dma source(%arg5 : memref<632x64xf32, #tpu.memory_space<hbm>>) target(%dma_start3A_9 : memref<632x64xf32, #tpu.memory_space<vmem_shared>>) target_semaphore(%run_scoped3A : memref<!tpu.dma_semaphore, #tpu.memory_space<semaphore_mem>>)
      %dma_wait3A = arith.constant 0 : i32
      %dma_wait3A_10 = tpu.memref_slice %arg17[%mul3A_2, %dma_wait3A] : memref<10112x64xf32, #tpu.memory_space<vmem_shared>> -> memref<632x64xf32, #tpu.memory_space<vmem_shared>>
      tpu.wait_dma2 semaphore(%run_scoped3A : memref<!tpu.dma_semaphore, #tpu.memory_space<semaphore_mem>>) src(%arg5 : memref<632x64xf32, #tpu.memory_space<hbm>>) dst(%dma_wait3A_10 : memref<632x64xf32, #tpu.memory_space<vmem_shared>>)
      tpu.yield
    }) : () -> ()
    "tpu.region"() ({
      %run_scoped3A = tpu.sem_alloc : memref<!tpu.dma_semaphore, #tpu.memory_space<semaphore_mem>>
      %dma_start3A = arith.constant 0 : i32
      %dma_start3A_9 = arith.constant 0 : i32
      %dma_start3A_10 = tpu.memref_slice %arg3[%add3A, %dma_start3A, %dma_start3A_9] : memref<32x84x128xi32, #tpu.memory_space<hbm>> -> memref<1x84x128xi32, #tpu.memory_space<hbm>>
      %dma_start3A_11 = tpu.memref_squeeze %dma_start3A_10 : memref<1x84x128xi32, #tpu.memory_space<hbm>> -> memref<84x128xi32, #tpu.memory_space<hbm>>
      %dma_start3A_12 = arith.constant 0 : i32
      %dma_start3A_13 = arith.constant 0 : i32
      %dma_start3A_14 = tpu.memref_slice %arg3[%add3A, %dma_start3A_12, %dma_start3A_13] : memref<32x84x128xi32, #tpu.memory_space<hbm>> -> memref<1x84x128xi32, #tpu.memory_space<hbm>>
      %dma_start3A_15 = tpu.memref_squeeze %dma_start3A_14 : memref<1x84x128xi32, #tpu.memory_space<hbm>> -> memref<84x128xi32, #tpu.memory_space<hbm>>
      tpu.enqueue_dma source(%dma_start3A_15 : memref<84x128xi32, #tpu.memory_space<hbm>>) target(%arg7 : memref<84x128xi32, #tpu.memory_space<vmem>>) target_semaphore(%run_scoped3A : memref<!tpu.dma_semaphore, #tpu.memory_space<semaphore_mem>>)
      %dma_wait3A = arith.constant 0 : i32
      %dma_wait3A_16 = arith.constant 0 : i32
      %dma_wait3A_17 = tpu.memref_slice %arg3[%add3A, %dma_wait3A, %dma_wait3A_16] : memref<32x84x128xi32, #tpu.memory_space<hbm>> -> memref<1x84x128xi32, #tpu.memory_space<hbm>>
      %dma_wait3A_18 = tpu.memref_squeeze %dma_wait3A_17 : memref<1x84x128xi32, #tpu.memory_space<hbm>> -> memref<84x128xi32, #tpu.memory_space<hbm>>
      %dma_wait3A_19 = arith.constant 0 : i32
      %dma_wait3A_20 = arith.constant 0 : i32
      %dma_wait3A_21 = tpu.memref_slice %arg3[%add3A, %dma_wait3A_19, %dma_wait3A_20] : memref<32x84x128xi32, #tpu.memory_space<hbm>> -> memref<1x84x128xi32, #tpu.memory_space<hbm>>
      %dma_wait3A_22 = tpu.memref_squeeze %dma_wait3A_21 : memref<1x84x128xi32, #tpu.memory_space<hbm>> -> memref<84x128xi32, #tpu.memory_space<hbm>>
      tpu.wait_dma2 semaphore(%run_scoped3A : memref<!tpu.dma_semaphore, #tpu.memory_space<semaphore_mem>>) src(%dma_wait3A_22 : memref<84x128xi32, #tpu.memory_space<hbm>>) dst(%arg7 : memref<84x128xi32, #tpu.memory_space<vmem>>)
      tpu.yield
    }) : () -> ()
    "tpu.region"() ({
      %run_scoped3A = tpu.sem_alloc : memref<!tpu.dma_semaphore, #tpu.memory_space<semaphore_mem>>
      %dma_start3A = arith.constant 0 : i32
      %dma_start3A_9 = arith.constant 0 : i32
      %dma_start3A_10 = tpu.memref_slice %arg4[%add3A, %dma_start3A, %dma_start3A_9] : memref<32x84x128xi32, #tpu.memory_space<hbm>> -> memref<1x84x128xi32, #tpu.memory_space<hbm>>
      %dma_start3A_11 = tpu.memref_squeeze %dma_start3A_10 : memref<1x84x128xi32, #tpu.memory_space<hbm>> -> memref<84x128xi32, #tpu.memory_space<hbm>>
      %dma_start3A_12 = arith.constant 0 : i32
      %dma_start3A_13 = arith.constant 0 : i32
      %dma_start3A_14 = tpu.memref_slice %arg4[%add3A, %dma_start3A_12, %dma_start3A_13] : memref<32x84x128xi32, #tpu.memory_space<hbm>> -> memref<1x84x128xi32, #tpu.memory_space<hbm>>
      %dma_start3A_15 = tpu.memref_squeeze %dma_start3A_14 : memref<1x84x128xi32, #tpu.memory_space<hbm>> -> memref<84x128xi32, #tpu.memory_space<hbm>>
      tpu.enqueue_dma source(%dma_start3A_15 : memref<84x128xi32, #tpu.memory_space<hbm>>) target(%arg8 : memref<84x128xi32, #tpu.memory_space<vmem>>) target_semaphore(%run_scoped3A : memref<!tpu.dma_semaphore, #tpu.memory_space<semaphore_mem>>)
      %dma_wait3A = arith.constant 0 : i32
      %dma_wait3A_16 = arith.constant 0 : i32
      %dma_wait3A_17 = tpu.memref_slice %arg4[%add3A, %dma_wait3A, %dma_wait3A_16] : memref<32x84x128xi32, #tpu.memory_space<hbm>> -> memref<1x84x128xi32, #tpu.memory_space<hbm>>
      %dma_wait3A_18 = tpu.memref_squeeze %dma_wait3A_17 : memref<1x84x128xi32, #tpu.memory_space<hbm>> -> memref<84x128xi32, #tpu.memory_space<hbm>>
      %dma_wait3A_19 = arith.constant 0 : i32
      %dma_wait3A_20 = arith.constant 0 : i32
      %dma_wait3A_21 = tpu.memref_slice %arg4[%add3A, %dma_wait3A_19, %dma_wait3A_20] : memref<32x84x128xi32, #tpu.memory_space<hbm>> -> memref<1x84x128xi32, #tpu.memory_space<hbm>>
      %dma_wait3A_22 = tpu.memref_squeeze %dma_wait3A_21 : memref<1x84x128xi32, #tpu.memory_space<hbm>> -> memref<84x128xi32, #tpu.memory_space<hbm>>
      tpu.wait_dma2 semaphore(%run_scoped3A : memref<!tpu.dma_semaphore, #tpu.memory_space<semaphore_mem>>) src(%dma_wait3A_22 : memref<84x128xi32, #tpu.memory_space<hbm>>) dst(%arg8 : memref<84x128xi32, #tpu.memory_space<vmem>>)
      tpu.yield
    }) : () -> ()
    %barrier3A = arith.constant 0 : index
    tpu.barrier barrier_id(%barrier3A)
    %scan3A = arith.constant 0 : i32
    %scan3A_3 = arith.constant 0 : i32
    %scan3A_4 = arith.constant 20 : i32
    %scan3A_5 = arith.addi %scan3A_3, %scan3A_4 : i32
    %scan3A_6 = arith.constant 1 : i32
    scf.for %scan3A_9 = %scan3A_3 to %scan3A_5 step %scan3A_6  : i32 {
      %mul3A_10 = arith.constant 4 : i32
      %mul3A_11 = arith.muli %scan3A_9, %mul3A_10 : i32
      %add3A_12 = arith.constant 0 : i32
      %add3A_13 = arith.addi %mul3A_11, %add3A_12 : i32
      %dma_start3A = arith.constant 0 : i32
      %dma_start3A_14 = tpu.memref_slice %arg7[%add3A_13, %dma_start3A] : memref<84x128xi32, #tpu.memory_space<vmem>> -> memref<1x128xi32, #tpu.memory_space<vmem>>
      %dma_start3A_15 = tpu.memref_squeeze %dma_start3A_14 : memref<1x128xi32, #tpu.memory_space<vmem>> -> memref<128xi32, #tpu.memory_space<vmem>>
      %dma_start3A_16 = arith.constant 0 : i32
      %dma_start3A_17 = arith.constant 0 : i32
      %dma_start3A_18 = tpu.memref_slice %arg2[%dma_start3A_16, %dma_start3A_17] : memref<10000x64xf32, #tpu.memory_space<hbm>> -> memref<10000x64xf32, #tpu.memory_space<hbm>>
      tpu.enqueue_indirect_dma source(%dma_start3A_18 : memref<10000x64xf32, #tpu.memory_space<hbm>>) target(%arg9 : memref<128x64xf32, #tpu.memory_space<vmem>>) offsets(%dma_start3A_15 : memref<128xi32, #tpu.memory_space<vmem>>) semaphore(%arg13 : memref<!tpu.dma_semaphore, #tpu.memory_space<semaphore_mem>>)
      %add3A_19 = arith.constant 1 : i32
      %add3A_20 = arith.addi %mul3A_11, %add3A_19 : i32
      %dma_start3A_21 = arith.constant 0 : i32
      %dma_start3A_22 = tpu.memref_slice %arg7[%add3A_20, %dma_start3A_21] : memref<84x128xi32, #tpu.memory_space<vmem>> -> memref<1x128xi32, #tpu.memory_space<vmem>>
      %dma_start3A_23 = tpu.memref_squeeze %dma_start3A_22 : memref<1x128xi32, #tpu.memory_space<vmem>> -> memref<128xi32, #tpu.memory_space<vmem>>
      %dma_start3A_24 = arith.constant 0 : i32
      %dma_start3A_25 = arith.constant 0 : i32
      %dma_start3A_26 = tpu.memref_slice %arg2[%dma_start3A_24, %dma_start3A_25] : memref<10000x64xf32, #tpu.memory_space<hbm>> -> memref<10000x64xf32, #tpu.memory_space<hbm>>
      tpu.enqueue_indirect_dma source(%dma_start3A_26 : memref<10000x64xf32, #tpu.memory_space<hbm>>) target(%arg10 : memref<128x64xf32, #tpu.memory_space<vmem>>) offsets(%dma_start3A_23 : memref<128xi32, #tpu.memory_space<vmem>>) semaphore(%arg14 : memref<!tpu.dma_semaphore, #tpu.memory_space<semaphore_mem>>)
      %add3A_27 = arith.constant 2 : i32
      %add3A_28 = arith.addi %mul3A_11, %add3A_27 : i32
      %dma_start3A_29 = arith.constant 0 : i32
      %dma_start3A_30 = tpu.memref_slice %arg7[%add3A_28, %dma_start3A_29] : memref<84x128xi32, #tpu.memory_space<vmem>> -> memref<1x128xi32, #tpu.memory_space<vmem>>
      %dma_start3A_31 = tpu.memref_squeeze %dma_start3A_30 : memref<1x128xi32, #tpu.memory_space<vmem>> -> memref<128xi32, #tpu.memory_space<vmem>>
      %dma_start3A_32 = arith.constant 0 : i32
      %dma_start3A_33 = arith.constant 0 : i32
      %dma_start3A_34 = tpu.memref_slice %arg2[%dma_start3A_32, %dma_start3A_33] : memref<10000x64xf32, #tpu.memory_space<hbm>> -> memref<10000x64xf32, #tpu.memory_space<hbm>>
      tpu.enqueue_indirect_dma source(%dma_start3A_34 : memref<10000x64xf32, #tpu.memory_space<hbm>>) target(%arg11 : memref<128x64xf32, #tpu.memory_space<vmem>>) offsets(%dma_start3A_31 : memref<128xi32, #tpu.memory_space<vmem>>) semaphore(%arg15 : memref<!tpu.dma_semaphore, #tpu.memory_space<semaphore_mem>>)
      %add3A_35 = arith.constant 3 : i32
      %add3A_36 = arith.addi %mul3A_11, %add3A_35 : i32
      %dma_start3A_37 = arith.constant 0 : i32
      %dma_start3A_38 = tpu.memref_slice %arg7[%add3A_36, %dma_start3A_37] : memref<84x128xi32, #tpu.memory_space<vmem>> -> memref<1x128xi32, #tpu.memory_space<vmem>>
      %dma_start3A_39 = tpu.memref_squeeze %dma_start3A_38 : memref<1x128xi32, #tpu.memory_space<vmem>> -> memref<128xi32, #tpu.memory_space<vmem>>
      %dma_start3A_40 = arith.constant 0 : i32
      %dma_start3A_41 = arith.constant 0 : i32
      %dma_start3A_42 = tpu.memref_slice %arg2[%dma_start3A_40, %dma_start3A_41] : memref<10000x64xf32, #tpu.memory_space<hbm>> -> memref<10000x64xf32, #tpu.memory_space<hbm>>
      tpu.enqueue_indirect_dma source(%dma_start3A_42 : memref<10000x64xf32, #tpu.memory_space<hbm>>) target(%arg12 : memref<128x64xf32, #tpu.memory_space<vmem>>) offsets(%dma_start3A_39 : memref<128xi32, #tpu.memory_space<vmem>>) semaphore(%arg16 : memref<!tpu.dma_semaphore, #tpu.memory_space<semaphore_mem>>)
      %dma_wait3A = arith.constant 0 : i32
      %dma_wait3A_43 = tpu.memref_slice %arg7[%add3A_13, %dma_wait3A] : memref<84x128xi32, #tpu.memory_space<vmem>> -> memref<1x128xi32, #tpu.memory_space<vmem>>
      %dma_wait3A_44 = tpu.memref_squeeze %dma_wait3A_43 : memref<1x128xi32, #tpu.memory_space<vmem>> -> memref<128xi32, #tpu.memory_space<vmem>>
      %dma_wait3A_45 = arith.constant 0 : i32
      %dma_wait3A_46 = arith.constant 0 : i32
      %dma_wait3A_47 = tpu.memref_slice %arg2[%dma_wait3A_45, %dma_wait3A_46] : memref<10000x64xf32, #tpu.memory_space<hbm>> -> memref<10000x64xf32, #tpu.memory_space<hbm>>
      tpu.wait_indirect_dma semaphore(%arg13 : memref<!tpu.dma_semaphore, #tpu.memory_space<semaphore_mem>>) src(%dma_wait3A_47 : memref<10000x64xf32, #tpu.memory_space<hbm>>) dst(%arg9 : memref<128x64xf32, #tpu.memory_space<vmem>>)
      %dma_wait3A_48 = arith.constant 0 : i32
      %dma_wait3A_49 = tpu.memref_slice %arg7[%add3A_20, %dma_wait3A_48] : memref<84x128xi32, #tpu.memory_space<vmem>> -> memref<1x128xi32, #tpu.memory_space<vmem>>
      %dma_wait3A_50 = tpu.memref_squeeze %dma_wait3A_49 : memref<1x128xi32, #tpu.memory_space<vmem>> -> memref<128xi32, #tpu.memory_space<vmem>>
      %dma_wait3A_51 = arith.constant 0 : i32
      %dma_wait3A_52 = arith.constant 0 : i32
      %dma_wait3A_53 = tpu.memref_slice %arg2[%dma_wait3A_51, %dma_wait3A_52] : memref<10000x64xf32, #tpu.memory_space<hbm>> -> memref<10000x64xf32, #tpu.memory_space<hbm>>
      tpu.wait_indirect_dma semaphore(%arg14 : memref<!tpu.dma_semaphore, #tpu.memory_space<semaphore_mem>>) src(%dma_wait3A_53 : memref<10000x64xf32, #tpu.memory_space<hbm>>) dst(%arg10 : memref<128x64xf32, #tpu.memory_space<vmem>>)
      %dma_wait3A_54 = arith.constant 0 : i32
      %dma_wait3A_55 = tpu.memref_slice %arg7[%add3A_28, %dma_wait3A_54] : memref<84x128xi32, #tpu.memory_space<vmem>> -> memref<1x128xi32, #tpu.memory_space<vmem>>
      %dma_wait3A_56 = tpu.memref_squeeze %dma_wait3A_55 : memref<1x128xi32, #tpu.memory_space<vmem>> -> memref<128xi32, #tpu.memory_space<vmem>>
      %dma_wait3A_57 = arith.constant 0 : i32
      %dma_wait3A_58 = arith.constant 0 : i32
      %dma_wait3A_59 = tpu.memref_slice %arg2[%dma_wait3A_57, %dma_wait3A_58] : memref<10000x64xf32, #tpu.memory_space<hbm>> -> memref<10000x64xf32, #tpu.memory_space<hbm>>
      tpu.wait_indirect_dma semaphore(%arg15 : memref<!tpu.dma_semaphore, #tpu.memory_space<semaphore_mem>>) src(%dma_wait3A_59 : memref<10000x64xf32, #tpu.memory_space<hbm>>) dst(%arg11 : memref<128x64xf32, #tpu.memory_space<vmem>>)
      %dma_wait3A_60 = arith.constant 0 : i32
      %dma_wait3A_61 = tpu.memref_slice %arg7[%add3A_36, %dma_wait3A_60] : memref<84x128xi32, #tpu.memory_space<vmem>> -> memref<1x128xi32, #tpu.memory_space<vmem>>
      %dma_wait3A_62 = tpu.memref_squeeze %dma_wait3A_61 : memref<1x128xi32, #tpu.memory_space<vmem>> -> memref<128xi32, #tpu.memory_space<vmem>>
      %dma_wait3A_63 = arith.constant 0 : i32
      %dma_wait3A_64 = arith.constant 0 : i32
      %dma_wait3A_65 = tpu.memref_slice %arg2[%dma_wait3A_63, %dma_wait3A_64] : memref<10000x64xf32, #tpu.memory_space<hbm>> -> memref<10000x64xf32, #tpu.memory_space<hbm>>
      tpu.wait_indirect_dma semaphore(%arg16 : memref<!tpu.dma_semaphore, #tpu.memory_space<semaphore_mem>>) src(%dma_wait3A_65 : memref<10000x64xf32, #tpu.memory_space<hbm>>) dst(%arg12 : memref<128x64xf32, #tpu.memory_space<vmem>>)
      %add3A_66 = arith.constant 0 : i32
      %add3A_67 = arith.addi %mul3A_11, %add3A_66 : i32
      %dma_start3A_68 = arith.constant 0 : i32
      %dma_start3A_69 = tpu.memref_slice %arg8[%add3A_67, %dma_start3A_68] : memref<84x128xi32, #tpu.memory_space<vmem>> -> memref<1x128xi32, #tpu.memory_space<vmem>>
      %dma_start3A_70 = tpu.memref_squeeze %dma_start3A_69 : memref<1x128xi32, #tpu.memory_space<vmem>> -> memref<128xi32, #tpu.memory_space<vmem>>
      %dma_start3A_71 = arith.constant 0 : i32
      %dma_start3A_72 = arith.constant 0 : i32
      %dma_start3A_73 = tpu.memref_slice %arg17[%dma_start3A_71, %dma_start3A_72] : memref<10112x64xf32, #tpu.memory_space<vmem_shared>> -> memref<10112x64xf32, #tpu.memory_space<vmem_shared>>
      tpu.enqueue_indirect_dma source(%arg9 : memref<128x64xf32, #tpu.memory_space<vmem>>) target(%dma_start3A_73 : memref<10112x64xf32, #tpu.memory_space<vmem_shared>>) offsets(%dma_start3A_70 : memref<128xi32, #tpu.memory_space<vmem>>) semaphore(%arg13 : memref<!tpu.dma_semaphore, #tpu.memory_space<semaphore_mem>>) {add = true}
      %add3A_74 = arith.constant 1 : i32
      %add3A_75 = arith.addi %mul3A_11, %add3A_74 : i32
      %dma_start3A_76 = arith.constant 0 : i32
      %dma_start3A_77 = tpu.memref_slice %arg8[%add3A_75, %dma_start3A_76] : memref<84x128xi32, #tpu.memory_space<vmem>> -> memref<1x128xi32, #tpu.memory_space<vmem>>
      %dma_start3A_78 = tpu.memref_squeeze %dma_start3A_77 : memref<1x128xi32, #tpu.memory_space<vmem>> -> memref<128xi32, #tpu.memory_space<vmem>>
      %dma_start3A_79 = arith.constant 0 : i32
      %dma_start3A_80 = arith.constant 0 : i32
      %dma_start3A_81 = tpu.memref_slice %arg17[%dma_start3A_79, %dma_start3A_80] : memref<10112x64xf32, #tpu.memory_space<vmem_shared>> -> memref<10112x64xf32, #tpu.memory_space<vmem_shared>>
      tpu.enqueue_indirect_dma source(%arg10 : memref<128x64xf32, #tpu.memory_space<vmem>>) target(%dma_start3A_81 : memref<10112x64xf32, #tpu.memory_space<vmem_shared>>) offsets(%dma_start3A_78 : memref<128xi32, #tpu.memory_space<vmem>>) semaphore(%arg14 : memref<!tpu.dma_semaphore, #tpu.memory_space<semaphore_mem>>) {add = true}
      %add3A_82 = arith.constant 2 : i32
      %add3A_83 = arith.addi %mul3A_11, %add3A_82 : i32
      %dma_start3A_84 = arith.constant 0 : i32
      %dma_start3A_85 = tpu.memref_slice %arg8[%add3A_83, %dma_start3A_84] : memref<84x128xi32, #tpu.memory_space<vmem>> -> memref<1x128xi32, #tpu.memory_space<vmem>>
      %dma_start3A_86 = tpu.memref_squeeze %dma_start3A_85 : memref<1x128xi32, #tpu.memory_space<vmem>> -> memref<128xi32, #tpu.memory_space<vmem>>
      %dma_start3A_87 = arith.constant 0 : i32
      %dma_start3A_88 = arith.constant 0 : i32
      %dma_start3A_89 = tpu.memref_slice %arg17[%dma_start3A_87, %dma_start3A_88] : memref<10112x64xf32, #tpu.memory_space<vmem_shared>> -> memref<10112x64xf32, #tpu.memory_space<vmem_shared>>
      tpu.enqueue_indirect_dma source(%arg11 : memref<128x64xf32, #tpu.memory_space<vmem>>) target(%dma_start3A_89 : memref<10112x64xf32, #tpu.memory_space<vmem_shared>>) offsets(%dma_start3A_86 : memref<128xi32, #tpu.memory_space<vmem>>) semaphore(%arg15 : memref<!tpu.dma_semaphore, #tpu.memory_space<semaphore_mem>>) {add = true}
      %add3A_90 = arith.constant 3 : i32
      %add3A_91 = arith.addi %mul3A_11, %add3A_90 : i32
      %dma_start3A_92 = arith.constant 0 : i32
      %dma_start3A_93 = tpu.memref_slice %arg8[%add3A_91, %dma_start3A_92] : memref<84x128xi32, #tpu.memory_space<vmem>> -> memref<1x128xi32, #tpu.memory_space<vmem>>
      %dma_start3A_94 = tpu.memref_squeeze %dma_start3A_93 : memref<1x128xi32, #tpu.memory_space<vmem>> -> memref<128xi32, #tpu.memory_space<vmem>>
      %dma_start3A_95 = arith.constant 0 : i32
      %dma_start3A_96 = arith.constant 0 : i32
      %dma_start3A_97 = tpu.memref_slice %arg17[%dma_start3A_95, %dma_start3A_96] : memref<10112x64xf32, #tpu.memory_space<vmem_shared>> -> memref<10112x64xf32, #tpu.memory_space<vmem_shared>>
      tpu.enqueue_indirect_dma source(%arg12 : memref<128x64xf32, #tpu.memory_space<vmem>>) target(%dma_start3A_97 : memref<10112x64xf32, #tpu.memory_space<vmem_shared>>) offsets(%dma_start3A_94 : memref<128xi32, #tpu.memory_space<vmem>>) semaphore(%arg16 : memref<!tpu.dma_semaphore, #tpu.memory_space<semaphore_mem>>) {add = true}
      %dma_wait3A_98 = arith.constant 0 : i32
      %dma_wait3A_99 = tpu.memref_slice %arg8[%add3A_67, %dma_wait3A_98] : memref<84x128xi32, #tpu.memory_space<vmem>> -> memref<1x128xi32, #tpu.memory_space<vmem>>
      %dma_wait3A_100 = tpu.memref_squeeze %dma_wait3A_99 : memref<1x128xi32, #tpu.memory_space<vmem>> -> memref<128xi32, #tpu.memory_space<vmem>>
      %dma_wait3A_101 = arith.constant 0 : i32
      %dma_wait3A_102 = arith.constant 0 : i32
      %dma_wait3A_103 = tpu.memref_slice %arg17[%dma_wait3A_101, %dma_wait3A_102] : memref<10112x64xf32, #tpu.memory_space<vmem_shared>> -> memref<10112x64xf32, #tpu.memory_space<vmem_shared>>
      tpu.wait_indirect_dma semaphore(%arg13 : memref<!tpu.dma_semaphore, #tpu.memory_space<semaphore_mem>>) src(%arg9 : memref<128x64xf32, #tpu.memory_space<vmem>>) dst(%dma_wait3A_103 : memref<10112x64xf32, #tpu.memory_space<vmem_shared>>)
      %dma_wait3A_104 = arith.constant 0 : i32
      %dma_wait3A_105 = tpu.memref_slice %arg8[%add3A_75, %dma_wait3A_104] : memref<84x128xi32, #tpu.memory_space<vmem>> -> memref<1x128xi32, #tpu.memory_space<vmem>>
      %dma_wait3A_106 = tpu.memref_squeeze %dma_wait3A_105 : memref<1x128xi32, #tpu.memory_space<vmem>> -> memref<128xi32, #tpu.memory_space<vmem>>
      %dma_wait3A_107 = arith.constant 0 : i32
      %dma_wait3A_108 = arith.constant 0 : i32
      %dma_wait3A_109 = tpu.memref_slice %arg17[%dma_wait3A_107, %dma_wait3A_108] : memref<10112x64xf32, #tpu.memory_space<vmem_shared>> -> memref<10112x64xf32, #tpu.memory_space<vmem_shared>>
      tpu.wait_indirect_dma semaphore(%arg14 : memref<!tpu.dma_semaphore, #tpu.memory_space<semaphore_mem>>) src(%arg10 : memref<128x64xf32, #tpu.memory_space<vmem>>) dst(%dma_wait3A_109 : memref<10112x64xf32, #tpu.memory_space<vmem_shared>>)
      %dma_wait3A_110 = arith.constant 0 : i32
      %dma_wait3A_111 = tpu.memref_slice %arg8[%add3A_83, %dma_wait3A_110] : memref<84x128xi32, #tpu.memory_space<vmem>> -> memref<1x128xi32, #tpu.memory_space<vmem>>
      %dma_wait3A_112 = tpu.memref_squeeze %dma_wait3A_111 : memref<1x128xi32, #tpu.memory_space<vmem>> -> memref<128xi32, #tpu.memory_space<vmem>>
      %dma_wait3A_113 = arith.constant 0 : i32
      %dma_wait3A_114 = arith.constant 0 : i32
      %dma_wait3A_115 = tpu.memref_slice %arg17[%dma_wait3A_113, %dma_wait3A_114] : memref<10112x64xf32, #tpu.memory_space<vmem_shared>> -> memref<10112x64xf32, #tpu.memory_space<vmem_shared>>
      tpu.wait_indirect_dma semaphore(%arg15 : memref<!tpu.dma_semaphore, #tpu.memory_space<semaphore_mem>>) src(%arg11 : memref<128x64xf32, #tpu.memory_space<vmem>>) dst(%dma_wait3A_115 : memref<10112x64xf32, #tpu.memory_space<vmem_shared>>)
      %dma_wait3A_116 = arith.constant 0 : i32
      %dma_wait3A_117 = tpu.memref_slice %arg8[%add3A_91, %dma_wait3A_116] : memref<84x128xi32, #tpu.memory_space<vmem>> -> memref<1x128xi32, #tpu.memory_space<vmem>>
      %dma_wait3A_118 = tpu.memref_squeeze %dma_wait3A_117 : memref<1x128xi32, #tpu.memory_space<vmem>> -> memref<128xi32, #tpu.memory_space<vmem>>
      %dma_wait3A_119 = arith.constant 0 : i32
      %dma_wait3A_120 = arith.constant 0 : i32
      %dma_wait3A_121 = tpu.memref_slice %arg17[%dma_wait3A_119, %dma_wait3A_120] : memref<10112x64xf32, #tpu.memory_space<vmem_shared>> -> memref<10112x64xf32, #tpu.memory_space<vmem_shared>>
      tpu.wait_indirect_dma semaphore(%arg16 : memref<!tpu.dma_semaphore, #tpu.memory_space<semaphore_mem>>) src(%arg12 : memref<128x64xf32, #tpu.memory_space<vmem>>) dst(%dma_wait3A_121 : memref<10112x64xf32, #tpu.memory_space<vmem_shared>>)
    }
    %scan3A_7 = arith.constant 20 : i32
    %barrier3A_8 = arith.constant 0 : index
    tpu.barrier barrier_id(%barrier3A_8)
    "tpu.region"() ({
      %run_scoped3A = tpu.sem_alloc : memref<!tpu.dma_semaphore, #tpu.memory_space<semaphore_mem>>
      %dma_start3A = arith.constant 0 : i32
      %dma_start3A_9 = tpu.memref_slice %arg6[%arg0, %mul3A_2, %dma_start3A] : memref<2x10112x64xf32, #tpu.memory_space<hbm>> -> memref<1x632x64xf32, #tpu.memory_space<hbm>>
      %dma_start3A_10 = tpu.memref_squeeze %dma_start3A_9 : memref<1x632x64xf32, #tpu.memory_space<hbm>> -> memref<632x64xf32, #tpu.memory_space<hbm>>
      %dma_start3A_11 = arith.constant 0 : i32
      %dma_start3A_12 = tpu.memref_slice %arg17[%mul3A_2, %dma_start3A_11] : memref<10112x64xf32, #tpu.memory_space<vmem_shared>> -> memref<632x64xf32, #tpu.memory_space<vmem_shared>>
      tpu.enqueue_dma source(%dma_start3A_12 : memref<632x64xf32, #tpu.memory_space<vmem_shared>>) target(%dma_start3A_10 : memref<632x64xf32, #tpu.memory_space<hbm>>) target_semaphore(%run_scoped3A : memref<!tpu.dma_semaphore, #tpu.memory_space<semaphore_mem>>)
      %dma_wait3A = arith.constant 0 : i32
      %dma_wait3A_13 = tpu.memref_slice %arg6[%arg0, %mul3A_2, %dma_wait3A] : memref<2x10112x64xf32, #tpu.memory_space<hbm>> -> memref<1x632x64xf32, #tpu.memory_space<hbm>>
      %dma_wait3A_14 = tpu.memref_squeeze %dma_wait3A_13 : memref<1x632x64xf32, #tpu.memory_space<hbm>> -> memref<632x64xf32, #tpu.memory_space<hbm>>
      %dma_wait3A_15 = arith.constant 0 : i32
      %dma_wait3A_16 = tpu.memref_slice %arg17[%mul3A_2, %dma_wait3A_15] : memref<10112x64xf32, #tpu.memory_space<vmem_shared>> -> memref<632x64xf32, #tpu.memory_space<vmem_shared>>
      tpu.wait_dma2 semaphore(%run_scoped3A : memref<!tpu.dma_semaphore, #tpu.memory_space<semaphore_mem>>) src(%dma_wait3A_16 : memref<632x64xf32, #tpu.memory_space<vmem_shared>>) dst(%dma_wait3A_14 : memref<632x64xf32, #tpu.memory_space<hbm>>)
      tpu.yield
    }) : () -> ()
    return
  }
}

module attributes {stable_mosaic.version = 14 : i64} {
  func.func @_tc1_body(%arg0: memref<10000x128xf32, #tpu.memory_space<vmem>>, %arg1: memref<2x10112x64xf32, #tpu.memory_space<vmem>>, %arg2: memref<2x10112x16xf32, #tpu.memory_space<vmem>>, %arg3: memref<128x64xf32, #tpu.memory_space<vmem>>, %arg4: memref<128x64xf32, #tpu.memory_space<vmem>>, %arg5: memref<1x64xf32, #tpu.memory_space<vmem>>, %arg6: memref<1x64xf32, #tpu.memory_space<vmem>>, %arg7: memref<1x64xf32, #tpu.memory_space<vmem>>, %arg8: memref<10000x64xf32, #tpu.memory_space<vmem>>, %arg9: memref<10000x1xf32, #tpu.memory_space<vmem>>) attributes {dimension_semantics = [], scalar_prefetch = 0 : i64, scratch_operands = 0 : i64, tpu.core_type = #tpu.core_type<tc>} {
    %get3A = arith.constant 0 : index
    %get3A_0 = arith.constant 0 : index
    %get3A_1 = arith.constant 0 : index
    %get3A_2 = vector.load %arg2[%get3A, %get3A_0, %get3A_1] : memref<2x10112x16xf32, #tpu.memory_space<vmem>>, vector<1x10000x1xf32>
    %get3A_3 = vector.shape_cast %get3A_2 : vector<1x10000x1xf32> to vector<10000x1xf32>
    %get3A_4 = arith.constant 1 : index
    %get3A_5 = arith.constant 0 : index
    %get3A_6 = arith.constant 0 : index
    %get3A_7 = vector.load %arg2[%get3A_4, %get3A_5, %get3A_6] : memref<2x10112x16xf32, #tpu.memory_space<vmem>>, vector<1x10000x1xf32>
    %get3A_8 = vector.shape_cast %get3A_7 : vector<1x10000x1xf32> to vector<10000x1xf32>
    %add3A = arith.addf %get3A_3, %get3A_8 : vector<10000x1xf32>
    %mul3A = arith.constant 5.000000e-01 : f32
    %mul3A_9 = vector.broadcast %mul3A : f32 to vector<10000x1xf32>
    %mul3A_10 = arith.mulf %add3A, %mul3A_9 : vector<10000x1xf32>
    %max3A = arith.constant 1.000000e+00 : f32
    %max3A_11 = vector.broadcast %max3A : f32 to vector<10000x1xf32>
    %max3A_12 = arith.maximumf %mul3A_10, %max3A_11 : vector<10000x1xf32>
    %get3A_13 = arith.constant 0 : index
    %get3A_14 = arith.constant 0 : index
    %get3A_15 = arith.constant 0 : index
    %get3A_16 = vector.load %arg1[%get3A_13, %get3A_14, %get3A_15] : memref<2x10112x64xf32, #tpu.memory_space<vmem>>, vector<1x10000x64xf32>
    %get3A_17 = vector.shape_cast %get3A_16 : vector<1x10000x64xf32> to vector<10000x64xf32>
    %get3A_18 = arith.constant 1 : index
    %get3A_19 = arith.constant 0 : index
    %get3A_20 = arith.constant 0 : index
    %get3A_21 = vector.load %arg1[%get3A_18, %get3A_19, %get3A_20] : memref<2x10112x64xf32, #tpu.memory_space<vmem>>, vector<1x10000x64xf32>
    %get3A_22 = vector.shape_cast %get3A_21 : vector<1x10000x64xf32> to vector<10000x64xf32>
    %concatenate3A = tpu.concatenate %get3A_17, %get3A_22 in 1 : vector<10000x64xf32>, vector<10000x64xf32> -> vector<10000x128xf32>
    %get3A_23 = arith.constant 0 : index
    %get3A_24 = arith.constant 0 : index
    %get3A_25 = vector.load %arg0[%get3A_23, %get3A_24] : memref<10000x128xf32, #tpu.memory_space<vmem>>, vector<10000x128xf32>
    %div3A = vector.broadcast %max3A_12 : vector<10000x1xf32> to vector<10000x128xf32>
    %div3A_26 = arith.divf %concatenate3A, %div3A : vector<10000x128xf32>
    %get3A_27 = arith.constant 0 : index
    %get3A_28 = arith.constant 0 : index
    %get3A_29 = vector.load %arg3[%get3A_27, %get3A_28] : memref<128x64xf32, #tpu.memory_space<vmem>>, vector<128x64xf32>
    %dot_general3A = arith.constant dense<0.000000e+00> : vector<10000x64xf32>
    %dot_general3A_30 = tpu.matmul %get3A_25, %get3A_29, %dot_general3A {dimension_numbers = #tpu.dot_dimension_numbers<[1], [0], [0], [1], [0, 0, 1, 1], [], []>, transpose_lhs_hint = false} : vector<10000x128xf32>, vector<128x64xf32>, vector<10000x64xf32> -> vector<10000x64xf32>
    %get3A_31 = arith.constant 0 : index
    %get3A_32 = arith.constant 0 : index
    %get3A_33 = vector.load %arg4[%get3A_31, %get3A_32] : memref<128x64xf32, #tpu.memory_space<vmem>>, vector<128x64xf32>
    %dot_general3A_34 = arith.constant dense<0.000000e+00> : vector<10000x64xf32>
    %dot_general3A_35 = tpu.matmul %div3A_26, %get3A_33, %dot_general3A_34 {dimension_numbers = #tpu.dot_dimension_numbers<[1], [0], [0], [1], [0, 0, 1, 1], [], []>, transpose_lhs_hint = false} : vector<10000x128xf32>, vector<128x64xf32>, vector<10000x64xf32> -> vector<10000x64xf32>
    %add3A_36 = arith.addf %dot_general3A_30, %dot_general3A_35 : vector<10000x64xf32>
    %get3A_37 = arith.constant 0 : index
    %get3A_38 = arith.constant 0 : index
    %get3A_39 = vector.load %arg5[%get3A_37, %get3A_38] : memref<1x64xf32, #tpu.memory_space<vmem>>, vector<1x64xf32>
    %add3A_40 = vector.broadcast %get3A_39 : vector<1x64xf32> to vector<10000x64xf32>
    %add3A_41 = arith.addf %add3A_36, %add3A_40 : vector<10000x64xf32>
    %get3A_42 = arith.constant 0 : index
    %get3A_43 = arith.constant 0 : index
    %get3A_44 = vector.load %arg6[%get3A_42, %get3A_43] : memref<1x64xf32, #tpu.memory_space<vmem>>, vector<1x64xf32>
    %get3A_45 = arith.constant 0 : index
    %get3A_46 = arith.constant 0 : index
    %get3A_47 = vector.load %arg7[%get3A_45, %get3A_46] : memref<1x64xf32, #tpu.memory_space<vmem>>, vector<1x64xf32>
    %reduce_sum3A = arith.constant dense<0.000000e+00> : vector<64xf32>
    %reduce_sum3A_48 = vector.multi_reduction <add>, %add3A_41, %reduce_sum3A [0] : vector<10000x64xf32> to vector<64xf32>
    %broadcast_in_dim3A = vector.shape_cast %reduce_sum3A_48 : vector<64xf32> to vector<1x64xf32>
    %div3A_49 = arith.constant 1.000000e+04 : f32
    %div3A_50 = vector.broadcast %div3A_49 : f32 to vector<1x64xf32>
    %div3A_51 = arith.divf %broadcast_in_dim3A, %div3A_50 : vector<1x64xf32>
    %sub3A = vector.broadcast %div3A_51 : vector<1x64xf32> to vector<10000x64xf32>
    %sub3A_52 = arith.subf %add3A_41, %sub3A : vector<10000x64xf32>
    %integer_pow3A = arith.mulf %sub3A_52, %sub3A_52 : vector<10000x64xf32>
    %reduce_sum3A_53 = arith.constant dense<0.000000e+00> : vector<64xf32>
    %reduce_sum3A_54 = vector.multi_reduction <add>, %integer_pow3A, %reduce_sum3A_53 [0] : vector<10000x64xf32> to vector<64xf32>
    %broadcast_in_dim3A_55 = vector.shape_cast %reduce_sum3A_54 : vector<64xf32> to vector<1x64xf32>
    %div3A_56 = arith.constant 1.000000e+04 : f32
    %div3A_57 = vector.broadcast %div3A_56 : f32 to vector<1x64xf32>
    %div3A_58 = arith.divf %broadcast_in_dim3A_55, %div3A_57 : vector<1x64xf32>
    %sub3A_59 = vector.broadcast %div3A_51 : vector<1x64xf32> to vector<10000x64xf32>
    %sub3A_60 = arith.subf %add3A_41, %sub3A_59 : vector<10000x64xf32>
    %add3A_61 = arith.constant 9.99999974E-6 : f32
    %add3A_62 = vector.broadcast %add3A_61 : f32 to vector<1x64xf32>
    %add3A_63 = arith.addf %div3A_58, %add3A_62 : vector<1x64xf32>
    %sqrt3A = math.sqrt %add3A_63 : vector<1x64xf32>
    %div3A_64 = vector.broadcast %sqrt3A : vector<1x64xf32> to vector<10000x64xf32>
    %div3A_65 = arith.divf %sub3A_60, %div3A_64 : vector<10000x64xf32>
    %mul3A_66 = vector.broadcast %get3A_44 : vector<1x64xf32> to vector<10000x64xf32>
    %mul3A_67 = arith.mulf %div3A_65, %mul3A_66 : vector<10000x64xf32>
    %add3A_68 = vector.broadcast %get3A_47 : vector<1x64xf32> to vector<10000x64xf32>
    %add3A_69 = arith.addf %mul3A_67, %add3A_68 : vector<10000x64xf32>
    %ge3A = arith.constant 0.000000e+00 : f32
    %ge3A_70 = vector.broadcast %ge3A : f32 to vector<10000x64xf32>
    %ge3A_71 = arith.cmpf oge, %add3A_69, %ge3A_70 : vector<10000x64xf32>
    %mul3A_72 = arith.constant 0.00999999977 : f32
    %mul3A_73 = vector.broadcast %mul3A_72 : f32 to vector<10000x64xf32>
    %mul3A_74 = arith.mulf %mul3A_73, %add3A_69 : vector<10000x64xf32>
    %select_n3A = arith.select %ge3A_71, %add3A_69, %mul3A_74 : vector<10000x64xi1>, vector<10000x64xf32>
    %swap3A = arith.constant 0 : index
    %swap3A_75 = arith.constant 0 : index
    %swap3A_76 = vector.load %arg8[%swap3A, %swap3A_75] : memref<10000x64xf32, #tpu.memory_space<vmem>>, vector<10000x64xf32>
    tpu.vector_store %arg8[%swap3A, %swap3A_75], %select_n3A {strides = array<i32>} : memref<10000x64xf32, #tpu.memory_space<vmem>>, vector<10000x64xf32>,
    %swap3A_77 = arith.constant 0 : index
    %swap3A_78 = arith.constant 0 : index
    %swap3A_79 = vector.load %arg9[%swap3A_77, %swap3A_78] : memref<10000x1xf32, #tpu.memory_space<vmem>>, vector<10000x1xf32>
    tpu.vector_store %arg9[%swap3A_77, %swap3A_78], %max3A_12 {strides = array<i32>} : memref<10000x1xf32, #tpu.memory_space<vmem>>, vector<10000x1xf32>,
    return
  }
}

module attributes {stable_mosaic.version = 14 : i64} {
  func.func @_tc2_body(%arg0: memref<10000x64xf32, #tpu.memory_space<vmem>>, %arg1: memref<2x10112x64xf32, #tpu.memory_space<vmem>>, %arg2: memref<10000x1xf32, #tpu.memory_space<vmem>>, %arg3: memref<64x64xf32, #tpu.memory_space<vmem>>, %arg4: memref<64x64xf32, #tpu.memory_space<vmem>>, %arg5: memref<1x64xf32, #tpu.memory_space<vmem>>, %arg6: memref<1x64xf32, #tpu.memory_space<vmem>>, %arg7: memref<1x64xf32, #tpu.memory_space<vmem>>, %arg8: memref<10000x1xf32, #tpu.memory_space<vmem>>, %arg9: memref<10000x1xi32, #tpu.memory_space<vmem>>, %arg10: memref<64x32xf32, #tpu.memory_space<vmem>>, %arg11: memref<1x32xf32, #tpu.memory_space<vmem>>, %arg12: memref<1x32xf32, #tpu.memory_space<vmem>>, %arg13: memref<1x32xf32, #tpu.memory_space<vmem>>, %arg14: memref<32x1xf32, #tpu.memory_space<vmem>>, %arg15: memref<1x1xf32, #tpu.memory_space<vmem>>, %arg16: memref<256x1xf32, #tpu.memory_space<vmem>>) attributes {dimension_semantics = [], scalar_prefetch = 0 : i64, scratch_operands = 0 : i64, tpu.core_type = #tpu.core_type<tc>} {
    %get3A = arith.constant 0 : index
    %get3A_0 = arith.constant 0 : index
    %get3A_1 = arith.constant 0 : index
    %get3A_2 = vector.load %arg1[%get3A, %get3A_0, %get3A_1] : memref<2x10112x64xf32, #tpu.memory_space<vmem>>, vector<1x10000x64xf32>
    %get3A_3 = vector.shape_cast %get3A_2 : vector<1x10000x64xf32> to vector<10000x64xf32>
    %get3A_4 = arith.constant 1 : index
    %get3A_5 = arith.constant 0 : index
    %get3A_6 = arith.constant 0 : index
    %get3A_7 = vector.load %arg1[%get3A_4, %get3A_5, %get3A_6] : memref<2x10112x64xf32, #tpu.memory_space<vmem>>, vector<1x10000x64xf32>
    %get3A_8 = vector.shape_cast %get3A_7 : vector<1x10000x64xf32> to vector<10000x64xf32>
    %add3A = arith.addf %get3A_3, %get3A_8 : vector<10000x64xf32>
    %get3A_9 = arith.constant 0 : index
    %get3A_10 = arith.constant 0 : index
    %get3A_11 = vector.load %arg0[%get3A_9, %get3A_10] : memref<10000x64xf32, #tpu.memory_space<vmem>>, vector<10000x64xf32>
    %get3A_12 = arith.constant 0 : index
    %get3A_13 = arith.constant 0 : index
    %get3A_14 = vector.load %arg2[%get3A_12, %get3A_13] : memref<10000x1xf32, #tpu.memory_space<vmem>>, vector<10000x1xf32>
    %div3A = vector.broadcast %get3A_14 : vector<10000x1xf32> to vector<10000x64xf32>
    %div3A_15 = arith.divf %add3A, %div3A : vector<10000x64xf32>
    %get3A_16 = arith.constant 0 : index
    %get3A_17 = arith.constant 0 : index
    %get3A_18 = vector.load %arg3[%get3A_16, %get3A_17] : memref<64x64xf32, #tpu.memory_space<vmem>>, vector<64x64xf32>
    %dot_general3A = arith.constant dense<0.000000e+00> : vector<10000x64xf32>
    %dot_general3A_19 = tpu.matmul %get3A_11, %get3A_18, %dot_general3A {dimension_numbers = #tpu.dot_dimension_numbers<[1], [0], [0], [1], [0, 0, 1, 1], [], []>, transpose_lhs_hint = false} : vector<10000x64xf32>, vector<64x64xf32>, vector<10000x64xf32> -> vector<10000x64xf32>
    %get3A_20 = arith.constant 0 : index
    %get3A_21 = arith.constant 0 : index
    %get3A_22 = vector.load %arg4[%get3A_20, %get3A_21] : memref<64x64xf32, #tpu.memory_space<vmem>>, vector<64x64xf32>
    %dot_general3A_23 = arith.constant dense<0.000000e+00> : vector<10000x64xf32>
    %dot_general3A_24 = tpu.matmul %div3A_15, %get3A_22, %dot_general3A_23 {dimension_numbers = #tpu.dot_dimension_numbers<[1], [0], [0], [1], [0, 0, 1, 1], [], []>, transpose_lhs_hint = false} : vector<10000x64xf32>, vector<64x64xf32>, vector<10000x64xf32> -> vector<10000x64xf32>
    %add3A_25 = arith.addf %dot_general3A_19, %dot_general3A_24 : vector<10000x64xf32>
    %get3A_26 = arith.constant 0 : index
    %get3A_27 = arith.constant 0 : index
    %get3A_28 = vector.load %arg5[%get3A_26, %get3A_27] : memref<1x64xf32, #tpu.memory_space<vmem>>, vector<1x64xf32>
    %add3A_29 = vector.broadcast %get3A_28 : vector<1x64xf32> to vector<10000x64xf32>
    %add3A_30 = arith.addf %add3A_25, %add3A_29 : vector<10000x64xf32>
    %get3A_31 = arith.constant 0 : index
    %get3A_32 = arith.constant 0 : index
    %get3A_33 = vector.load %arg6[%get3A_31, %get3A_32] : memref<1x64xf32, #tpu.memory_space<vmem>>, vector<1x64xf32>
    %get3A_34 = arith.constant 0 : index
    %get3A_35 = arith.constant 0 : index
    %get3A_36 = vector.load %arg7[%get3A_34, %get3A_35] : memref<1x64xf32, #tpu.memory_space<vmem>>, vector<1x64xf32>
    %reduce_sum3A = arith.constant dense<0.000000e+00> : vector<64xf32>
    %reduce_sum3A_37 = vector.multi_reduction <add>, %add3A_30, %reduce_sum3A [0] : vector<10000x64xf32> to vector<64xf32>
    %broadcast_in_dim3A = vector.shape_cast %reduce_sum3A_37 : vector<64xf32> to vector<1x64xf32>
    %div3A_38 = arith.constant 1.000000e+04 : f32
    %div3A_39 = vector.broadcast %div3A_38 : f32 to vector<1x64xf32>
    %div3A_40 = arith.divf %broadcast_in_dim3A, %div3A_39 : vector<1x64xf32>
    %sub3A = vector.broadcast %div3A_40 : vector<1x64xf32> to vector<10000x64xf32>
    %sub3A_41 = arith.subf %add3A_30, %sub3A : vector<10000x64xf32>
    %integer_pow3A = arith.mulf %sub3A_41, %sub3A_41 : vector<10000x64xf32>
    %reduce_sum3A_42 = arith.constant dense<0.000000e+00> : vector<64xf32>
    %reduce_sum3A_43 = vector.multi_reduction <add>, %integer_pow3A, %reduce_sum3A_42 [0] : vector<10000x64xf32> to vector<64xf32>
    %broadcast_in_dim3A_44 = vector.shape_cast %reduce_sum3A_43 : vector<64xf32> to vector<1x64xf32>
    %div3A_45 = arith.constant 1.000000e+04 : f32
    %div3A_46 = vector.broadcast %div3A_45 : f32 to vector<1x64xf32>
    %div3A_47 = arith.divf %broadcast_in_dim3A_44, %div3A_46 : vector<1x64xf32>
    %sub3A_48 = vector.broadcast %div3A_40 : vector<1x64xf32> to vector<10000x64xf32>
    %sub3A_49 = arith.subf %add3A_30, %sub3A_48 : vector<10000x64xf32>
    %add3A_50 = arith.constant 9.99999974E-6 : f32
    %add3A_51 = vector.broadcast %add3A_50 : f32 to vector<1x64xf32>
    %add3A_52 = arith.addf %div3A_47, %add3A_51 : vector<1x64xf32>
    %sqrt3A = math.sqrt %add3A_52 : vector<1x64xf32>
    %div3A_53 = vector.broadcast %sqrt3A : vector<1x64xf32> to vector<10000x64xf32>
    %div3A_54 = arith.divf %sub3A_49, %div3A_53 : vector<10000x64xf32>
    %mul3A = vector.broadcast %get3A_33 : vector<1x64xf32> to vector<10000x64xf32>
    %mul3A_55 = arith.mulf %div3A_54, %mul3A : vector<10000x64xf32>
    %add3A_56 = vector.broadcast %get3A_36 : vector<1x64xf32> to vector<10000x64xf32>
    %add3A_57 = arith.addf %mul3A_55, %add3A_56 : vector<10000x64xf32>
    %ge3A = arith.constant 0.000000e+00 : f32
    %ge3A_58 = vector.broadcast %ge3A : f32 to vector<10000x64xf32>
    %ge3A_59 = arith.cmpf oge, %add3A_57, %ge3A_58 : vector<10000x64xf32>
    %mul3A_60 = arith.constant 0.00999999977 : f32
    %mul3A_61 = vector.broadcast %mul3A_60 : f32 to vector<10000x64xf32>
    %mul3A_62 = arith.mulf %mul3A_61, %add3A_57 : vector<10000x64xf32>
    %select_n3A = arith.select %ge3A_59, %add3A_57, %mul3A_62 : vector<10000x64xi1>, vector<10000x64xf32>
    %get3A_63 = arith.constant 0 : index
    %get3A_64 = arith.constant 0 : index
    %get3A_65 = vector.load %arg8[%get3A_63, %get3A_64] : memref<10000x1xf32, #tpu.memory_space<vmem>>, vector<10000x1xf32>
    %mul3A_66 = vector.broadcast %get3A_65 : vector<10000x1xf32> to vector<10000x64xf32>
    %mul3A_67 = arith.mulf %select_n3A, %mul3A_66 : vector<10000x64xf32>
    %iota3A = tpu.iota {dimensions = array<i32: 1>} : vector<10000x256xi32>
    %get3A_68 = arith.constant 0 : index
    %get3A_69 = arith.constant 0 : index
    %get3A_70 = vector.load %arg9[%get3A_68, %get3A_69] : memref<10000x1xi32, #tpu.memory_space<vmem>>, vector<10000x1xi32>
    %eq3A = vector.broadcast %get3A_70 : vector<10000x1xi32> to vector<10000x256xi32>
    %eq3A_71 = arith.cmpi eq, %eq3A, %iota3A : vector<10000x256xi32>
    %convert_element_type3A = arith.extui %eq3A_71 : vector<10000x256xi1> to vector<10000x256xi32>
    %convert_element_type3A_72 = arith.sitofp %convert_element_type3A : vector<10000x256xi32> to vector<10000x256xf32>
    %dot_general3A_73 = arith.constant dense<0.000000e+00> : vector<256x64xf32>
    %dot_general3A_74 = tpu.matmul %convert_element_type3A_72, %mul3A_67, %dot_general3A_73 {dimension_numbers = #tpu.dot_dimension_numbers<[0], [0], [1], [1], [0, 1, 1, 1], [], []>, precision = #tpu.contract_precision<fp32>, transpose_lhs_hint = false} : vector<10000x256xf32>, vector<10000x64xf32>, vector<256x64xf32> -> vector<256x64xf32>
    %reduce_sum3A_75 = arith.constant dense<0.000000e+00> : vector<256xf32>
    %reduce_sum3A_76 = vector.multi_reduction <add>, %convert_element_type3A_72, %reduce_sum3A_75 [0] : vector<10000x256xf32> to vector<256xf32>
    %broadcast_in_dim3A_77 = vector.shape_cast %reduce_sum3A_76 : vector<256xf32> to vector<256x1xf32>
    %max3A = arith.constant 1.000000e+00 : f32
    %max3A_78 = vector.broadcast %max3A : f32 to vector<256x1xf32>
    %max3A_79 = arith.maximumf %broadcast_in_dim3A_77, %max3A_78 : vector<256x1xf32>
    %div3A_80 = vector.broadcast %max3A_79 : vector<256x1xf32> to vector<256x64xf32>
    %div3A_81 = arith.divf %dot_general3A_74, %div3A_80 : vector<256x64xf32>
    %get3A_82 = arith.constant 0 : index
    %get3A_83 = arith.constant 0 : index
    %get3A_84 = vector.load %arg10[%get3A_82, %get3A_83] : memref<64x32xf32, #tpu.memory_space<vmem>>, vector<64x32xf32>
    %dot_general3A_85 = arith.constant dense<0.000000e+00> : vector<256x32xf32>
    %dot_general3A_86 = tpu.matmul %div3A_81, %get3A_84, %dot_general3A_85 {dimension_numbers = #tpu.dot_dimension_numbers<[1], [0], [0], [1], [0, 0, 1, 1], [], []>, transpose_lhs_hint = false} : vector<256x64xf32>, vector<64x32xf32>, vector<256x32xf32> -> vector<256x32xf32>
    %get3A_87 = arith.constant 0 : index
    %get3A_88 = arith.constant 0 : index
    %get3A_89 = vector.load %arg11[%get3A_87, %get3A_88] : memref<1x32xf32, #tpu.memory_space<vmem>>, vector<1x32xf32>
    %add3A_90 = vector.broadcast %get3A_89 : vector<1x32xf32> to vector<256x32xf32>
    %add3A_91 = arith.addf %dot_general3A_86, %add3A_90 : vector<256x32xf32>
    %get3A_92 = arith.constant 0 : index
    %get3A_93 = arith.constant 0 : index
    %get3A_94 = vector.load %arg12[%get3A_92, %get3A_93] : memref<1x32xf32, #tpu.memory_space<vmem>>, vector<1x32xf32>
    %get3A_95 = arith.constant 0 : index
    %get3A_96 = arith.constant 0 : index
    %get3A_97 = vector.load %arg13[%get3A_95, %get3A_96] : memref<1x32xf32, #tpu.memory_space<vmem>>, vector<1x32xf32>
    %reduce_sum3A_98 = arith.constant dense<0.000000e+00> : vector<32xf32>
    %reduce_sum3A_99 = vector.multi_reduction <add>, %add3A_91, %reduce_sum3A_98 [0] : vector<256x32xf32> to vector<32xf32>
    %broadcast_in_dim3A_100 = vector.shape_cast %reduce_sum3A_99 : vector<32xf32> to vector<1x32xf32>
    %div3A_101 = arith.constant 2.560000e+02 : f32
    %div3A_102 = vector.broadcast %div3A_101 : f32 to vector<1x32xf32>
    %div3A_103 = arith.divf %broadcast_in_dim3A_100, %div3A_102 : vector<1x32xf32>
    %sub3A_104 = vector.broadcast %div3A_103 : vector<1x32xf32> to vector<256x32xf32>
    %sub3A_105 = arith.subf %add3A_91, %sub3A_104 : vector<256x32xf32>
    %integer_pow3A_106 = arith.mulf %sub3A_105, %sub3A_105 : vector<256x32xf32>
    %reduce_sum3A_107 = arith.constant dense<0.000000e+00> : vector<32xf32>
    %reduce_sum3A_108 = vector.multi_reduction <add>, %integer_pow3A_106, %reduce_sum3A_107 [0] : vector<256x32xf32> to vector<32xf32>
    %broadcast_in_dim3A_109 = vector.shape_cast %reduce_sum3A_108 : vector<32xf32> to vector<1x32xf32>
    %div3A_110 = arith.constant 2.560000e+02 : f32
    %div3A_111 = vector.broadcast %div3A_110 : f32 to vector<1x32xf32>
    %div3A_112 = arith.divf %broadcast_in_dim3A_109, %div3A_111 : vector<1x32xf32>
    %sub3A_113 = vector.broadcast %div3A_103 : vector<1x32xf32> to vector<256x32xf32>
    %sub3A_114 = arith.subf %add3A_91, %sub3A_113 : vector<256x32xf32>
    %add3A_115 = arith.constant 9.99999974E-6 : f32
    %add3A_116 = vector.broadcast %add3A_115 : f32 to vector<1x32xf32>
    %add3A_117 = arith.addf %div3A_112, %add3A_116 : vector<1x32xf32>
    %sqrt3A_118 = math.sqrt %add3A_117 : vector<1x32xf32>
    %div3A_119 = vector.broadcast %sqrt3A_118 : vector<1x32xf32> to vector<256x32xf32>
    %div3A_120 = arith.divf %sub3A_114, %div3A_119 : vector<256x32xf32>
    %mul3A_121 = vector.broadcast %get3A_94 : vector<1x32xf32> to vector<256x32xf32>
    %mul3A_122 = arith.mulf %div3A_120, %mul3A_121 : vector<256x32xf32>
    %add3A_123 = vector.broadcast %get3A_97 : vector<1x32xf32> to vector<256x32xf32>
    %add3A_124 = arith.addf %mul3A_122, %add3A_123 : vector<256x32xf32>
    %ge3A_125 = arith.constant 0.000000e+00 : f32
    %ge3A_126 = vector.broadcast %ge3A_125 : f32 to vector<256x32xf32>
    %ge3A_127 = arith.cmpf oge, %add3A_124, %ge3A_126 : vector<256x32xf32>
    %mul3A_128 = arith.constant 0.00999999977 : f32
    %mul3A_129 = vector.broadcast %mul3A_128 : f32 to vector<256x32xf32>
    %mul3A_130 = arith.mulf %mul3A_129, %add3A_124 : vector<256x32xf32>
    %select_n3A_131 = arith.select %ge3A_127, %add3A_124, %mul3A_130 : vector<256x32xi1>, vector<256x32xf32>
    %get3A_132 = arith.constant 0 : index
    %get3A_133 = arith.constant 0 : index
    %get3A_134 = vector.load %arg14[%get3A_132, %get3A_133] : memref<32x1xf32, #tpu.memory_space<vmem>>, vector<32x1xf32>
    %dot_general3A_135 = arith.constant dense<0.000000e+00> : vector<256x1xf32>
    %dot_general3A_136 = tpu.matmul %select_n3A_131, %get3A_134, %dot_general3A_135 {dimension_numbers = #tpu.dot_dimension_numbers<[1], [0], [0], [1], [0, 0, 1, 1], [], []>, transpose_lhs_hint = false} : vector<256x32xf32>, vector<32x1xf32>, vector<256x1xf32> -> vector<256x1xf32>
    %get3A_137 = arith.constant 0 : index
    %get3A_138 = arith.constant 0 : index
    %get3A_139 = vector.load %arg15[%get3A_137, %get3A_138] : memref<1x1xf32, #tpu.memory_space<vmem>>, vector<1x1xf32>
    %add3A_140 = vector.broadcast %get3A_139 : vector<1x1xf32> to vector<256x1xf32>
    %add3A_141 = arith.addf %dot_general3A_136, %add3A_140 : vector<256x1xf32>
    %swap3A = arith.constant 0 : index
    %swap3A_142 = arith.constant 0 : index
    %swap3A_143 = vector.load %arg16[%swap3A, %swap3A_142] : memref<256x1xf32, #tpu.memory_space<vmem>>, vector<256x1xf32>
    tpu.vector_store %arg16[%swap3A, %swap3A_142], %add3A_141 {strides = array<i32>} : memref<256x1xf32, #tpu.memory_space<vmem>>, vector<256x1xf32>,
    return
  }
}

</mosaic_0001>

<sc_bundles>
// kernel: kernel.6.cloned.1.call-start
scs
__scs_entry_jumppad:
0x0: {  	(pc) =	sbr.rel $0x88, $3  }
0x1: {  	(tag) =	ssettag $0x0;
	lr =	simm.s32 $0x1  }
0x2: {  	[smem:$0x3F8D] =	sst lr;
	_ =	strace $0xD0000000  }
0x3: {  	_ = 	snop  }
0x4: {  	_ = 	snop  }
0x5: {  	_ = 	snop  }
0x6: {  	_ = 	snop  }
0x7: {  	_ = 	snop  }
__scs_overlays_trampoline_lowered:
0x8: {  	[smem:$0x3F9C] =	sst s0  }
0x9: {  	[smem:$0x3F9D] =	sst s1  }
0xa: {  	[smem:$0x3F9E] =	sst s2  }
0xb: {  	[smem:$0x3F9F] =	sst s3  }
0xc: {  	[smem:$0x3FA0] =	sst s4  }
0xd: {  	[smem:$0x3FA1] =	sst s5  }
0xe: {  	[smem:$0x3FA2] =	sst s6  }
0xf: {  	[smem:$0x3FA3] =	sst s7  }
0x10: {  	[smem:$0x3FA4] =	sst s8  }
0x11: {  	[smem:$0x3FA5] =	sst s9;
	s0 =	simm.s32 @!p0 $0x0  }
0x12: {  	s1 =	sld [smem:$0x3F8B];
	s0 =	simm.s32 @p0 $0x1  }
0x13: {  	[smem:$0x3FA6] =	sst s0;
	s0 =	simm.s32 @!p1 $0x0  }
0x14: {  	s2 =	sld [smem:$0x3F8A];
	s0 =	simm.s32 @p1 $0x1  }
0x15: {  	[smem:$0x3FA7] =	sst s0;
	s0 =	simm.s32 @!p2 $0x0  }
0x16: {  	s3 =	sld [smem:$0x3FDB];
	s0 =	simm.s32 @p2 $0x1  }
0x17: {  	s4 =	simm.s32 $0x1BF5;
	[smem:$0x3FA9] =	sst s0  }
0x18: {  	s0 =	sld [smem:$0x3F8C];
	_ =	swait.ge [sflag:s4], $0x0  }
0x19: {  	s7 =	sld [smem:$0x3F8D]  }
0x1a: {  	s8 =	sadd.s32 $0xFFFFE003, lr  }
0x1b: {  	s9 =	sadd.s32 $0xFFFFFEF7, lr;
	s5 =	simm.s32 $0xFFFFFFFF;
	p2 =	slt.u32 s8, $0xFFFFF086  }
0x1c: {  	p1 =	slt.u32 s9, $0xF7A;
	s5 =	simm.s32 @!p2 $0x0  }
0x1d: {  	s5 =	simm.s32 @p1 $0x1;
	p0 =	seq.s32 s7, s2  }
0x1e: {  	s7 =	smul.u32 @!p0 $0xF7A, s2;
	p2 =	seq.s32 @!p0 s5, $0x0  }
0x1f: {  	s9 =	smul.u32 $0xF7A, s1;
	s8 =	simm.s32 @!p0 $0x1BF5;
	p2 =	por !p2, p0  }
0x20: {  	[sflag:s8] =	ssyncset.s32 @!p0 $0xFFFFF086;
	s6 =	sadd.s32 @!p0 s3, s7;
	s7 =	simm.s32 @!p0 $0x108  }
0x21: {  	s3 =	sadd.s32 s3, s9;
	s6 =	sadd.s32 @!p0 $0x88, s6;
	s7 =	simm.s32 @p2 $0x1082  }
0x22: {  	[simem:s7], [sflag:s8] =	dma.local @!p0 [hbm:s6], $0xF7A  }
0x23: {  	s9 =	sor.u32 $0xD0000000, s2;
	s6 =	simm.s32 $0x108;
	_ =	swait.ge @!p0 [sflag:s8], $0x0  }
0x24: {  	s3 =	sadd.s32 $0x88, s3;
	s6 =	simm.s32 @!p1 $0x1082;
	[sflag:s4] =	ssyncset.s32 $0xFFFFF086  }
0x25: {  	[simem:s6], [sflag:s4] =	dma.local [hbm:s3], $0xF7A  }
0x26: {  	[smem:$0x3F8D] =	sst s1;
	(tag) =	ssettag s2;
	_ =	strace s9  }
0x27: {  	s1 =	sld [smem:$0x3F9D]  }
0x28: {  	s2 =	sld [smem:$0x3F9E]  }
0x29: {  	s4 =	sld [smem:$0x3FA0]  }
0x2a: {  	p0 =	seq.s32 s5, $0x0;
	s5 =	sld [smem:$0x3FA1]  }
0x2b: {  	s6 =	sld [smem:$0x3FA2]  }
0x2c: {  	s7 =	sld [smem:$0x3FA3]  }
0x2d: {  	s3 =	simm.s32 $0x108;
	s8 =	sld [smem:$0x3FA4]  }
0x2e: {  	s3 =	simm.s32 @!p0 $0x1082;
	s9 =	sld [smem:$0x3FA5]  }
0x2f: {  	lr =	sadd.s32 s0, s3;
	s0 =	sld [smem:$0x3F9C]  }
0x30: {  	s3 =	sld [smem:$0x3F9F]  }
0x31: {  	[smem:$0x3FA8] =	sst s10  }
0x32: {  	s10 =	sld [smem:$0x3FA6];
	_ =	sdelay $0x3  }
0x33: {  	p0 =	seq.s32 s10, $0x1;
	s10 =	sld [smem:$0x3FA8];
	_ =	sdelay $0x3  }
0x34: {  	[smem:$0x3FA8] =	sst s10  }
0x35: {  	s10 =	sld [smem:$0x3FA7];
	_ =	sdelay $0x3  }
0x36: {  	p1 =	seq.s32 s10, $0x1;
	s10 =	sld [smem:$0x3FA8];
	_ =	sdelay $0x3  }
0x37: {  	[smem:$0x3FA8] =	sst s10  }
0x38: {  	s10 =	sld [smem:$0x3FA9]  }
0x39: {  	_ = 	snop;
	(pc) =	sbr.ind lr, $3  }
0x3a: {  	_ = 	snop  }
0x3b: {  	_ = 	snop  }
0x3c: {  	p2 =	seq.s32 s10, $0x1;
	s10 =	sld [smem:$0x3FA8]  }
0x3d: {  	_ =	shalt  }
0x3e: {  	_ =	shalt  }
0x3f: {  	_ =	shalt  }
0x40: {  	_ =	shalt  }
0x41: {  	_ =	shalt  }
0x42: {  	_ =	shalt  }
0x43: {  	_ =	shalt  }
0x44: {  	_ =	shalt  }
0x45: {  	_ =	shalt  }
0x46: {  	_ =	shalt  }
0x47: {  	_ =	shalt  }
0x48: {  	_ =	shalt  }
0x49: {  	_ =	shalt  }
0x4a: {  	_ =	shalt  }
0x4b: {  	_ =	shalt  }
0x4c: {  	_ =	shalt  }
0x4d: {  	_ =	shalt  }
0x4e: {  	_ =	shalt  }
0x4f: {  	_ =	shalt  }
0x50: {  	_ =	shalt  }
0x51: {  	_ =	shalt  }
0x52: {  	_ =	shalt  }
0x53: {  	_ =	shalt  }
0x54: {  	_ =	shalt  }
0x55: {  	_ =	shalt  }
0x56: {  	_ =	shalt  }
0x57: {  	_ =	shalt  }
0x58: {  	_ =	shalt  }
0x59: {  	_ =	shalt  }
0x5a: {  	_ =	shalt  }
0x5b: {  	_ =	shalt  }
0x5c: {  	_ =	shalt  }
0x5d: {  	_ =	shalt  }
0x5e: {  	_ =	shalt  }
0x5f: {  	_ =	shalt  }
0x60: {  	_ =	shalt  }
0x61: {  	_ =	shalt  }
0x62: {  	_ =	shalt  }
0x63: {  	_ =	shalt  }
0x64: {  	_ =	shalt  }
0x65: {  	_ =	shalt  }
0x66: {  	_ =	shalt  }
0x67: {  	_ =	shalt  }
0x68: {  	_ =	shalt  }
0x69: {  	_ =	shalt  }
0x6a: {  	_ =	shalt  }
0x6b: {  	_ =	shalt  }
0x6c: {  	_ =	shalt  }
0x6d: {  	_ =	shalt  }
0x6e: {  	_ =	shalt  }
0x6f: {  	_ =	shalt  }
0x70: {  	_ =	shalt  }
0x71: {  	_ =	shalt  }
0x72: {  	_ =	shalt  }
0x73: {  	_ =	shalt  }
0x74: {  	_ =	shalt  }
0x75: {  	_ =	shalt  }
0x76: {  	_ =	shalt  }
0x77: {  	_ =	shalt  }
0x78: {  	_ =	shalt  }
0x79: {  	_ =	shalt  }
0x7a: {  	_ =	shalt  }
0x7b: {  	_ =	shalt  }
0x7c: {  	_ =	shalt  }
0x7d: {  	_ =	shalt  }
0x7e: {  	_ =	shalt  }
0x7f: {  	_ =	shalt  }
0x80: {  	_ =	shalt  }
0x81: {  	_ =	shalt  }
0x82: {  	_ =	shalt  }
0x83: {  	_ =	shalt  }
0x84: {  	_ =	shalt  }
0x85: {  	_ =	shalt  }
0x86: {  	_ =	shalt  }
0x87: {  	_ =	shalt  }
.Lfunc_end0:
.L_simem_size_0:
called_computation_lowered:
.L_overlay_start_0:
0x88: {  	s2 =	sld [smem:$0x3FD9]  }
0x89: {  	s3 =	sld [smem:$0x3FFE];
	_ =	sdelay $0x1  }
0x8a: {  	s1 =	srdreg.scid  }
0x8b: {  	s0 =	sand.u32 $0x1, s1  }
0x8c: {  	s16 =	sshll.u32 s0, $0xA;
	s2 =	sadd.s32 s3, s2  }
0x8d: {  	s2 =	sadd.s32 s2, s16  }
0x8e: {  	[smem:$0x3FB4] =	sst s2  }
0x8f: {  	_ = 	snop  }
0x90: {  	(tm) =	ssettm $0x1  }
0x91: {  	s17 =	sld [smem:$0x3FFB];
	_ =	sdelay $0x3  }
0x92: {  	_ =	strace s17  }
0x93: {  	s2 =	sld [smem:$0x3FFC];
	_ =	sdelay $0x3  }
0x94: {  	_ =	strace s2  }
0x95: {  	s2 =	sld [smem:$0x3FFD];
	_ =	sdelay $0x3  }
0x96: {  	_ =	strace s2  }
0x97: {  	_ =	strace $0x8FFFFFFF  }
0x98: {  	s18 =	sld [smem:$0x3FDB];
	_ =	sdelay $0x1  }
0x99: {  	s19 =	simm.s32 $_scs_section_size  }
0x9a: {  	s4 =	simm.s32 $_size__tile_overlayer_lowered;
	s5 =	simm.s32 $_tile_overlayer_lowered  }
0x9b: {  	s22 =	simm.s32 $0x1BFF;
	s21 =	sshll.u32 s5, $0x1;
	s2 =	sadd.s32 s19, s18  }
0x9c: {  	s6 =	simm.s32 $0x0;
	s20 =	sshll.u32 s4, $0x1;
	s4 =	sadd.s32 s21, s2  }
0x9d: {  	[timem:s6], [sflag:s22] =	dma.local [hbm:s4], s20  }
0x9e: {  	_ =	swait.ge [sflag:s22], s20  }
0x9f: {  	s3 =	ssub.s32 $0x0, s20;
	[sflag:s22] =	ssyncset.done $0x0  }
0xa0: {  	[sflag:s22] =	ssyncadd.s32 s3;
	_ =	sdelay $0x1  }
0xa1: {  	s23 =	simm.s32 $0x1B8B  }
0xa2: {  	_ =	swait.ge [sflag:s23], $0x1  }
0xa3: {  	[sflag:s23] =	ssyncset.done $0x0  }
0xa4: {  	s25 =	simm.s32 $0x1B8E;
	s24 =	sld [smem:$0x3FFE];
	[sflag:s23] =	ssyncadd.s32 $0xFFFFFFFF  }
0xa5: {  	s26 =	simm.s32 $execute0_lowered;
	[smem:$0x3FD2] =	sst s25  }
0xa6: {  	s4 =	sshll.u32 s26, $0x1;
	_ =	strace $0x80000046;
	[dreg:$0x1] =	wrdreg $0xFFFFFFFF  }
0xa7: {  	s28 =	simm.s32 $_size_execute0_lowered;
	s2 =	sadd.s32 s2, s4;
	[dreg:$0x0] =	wrdreg $0x0  }
0xa8: {  	s4 =	sshll.u32 s28, $0x1;
	[dreg:$0x2] =	wrdreg s2  }
0xa9: {  	[dreg:$0x3] =	wrdreg s4  }
0xaa: {  	[dreg:$0x4] =	wrdreg $0xC0  }
0xab: {  	_ =	task [dreg:s6], $0x5FFFF  }
0xac: {  	[dreg:$0x1] =	wrdreg $0xFFFFFFFF  }
0xad: {  	[dreg:$0x0] =	wrdreg $0x60  }
0xae: {  	[dreg:$0x2] =	wrdreg s24  }
0xaf: {  	[dreg:$0x3] =	wrdreg $0x12C000  }
0xb0: {  	[dreg:$0x4] =	wrdreg $0x1CA000  }
0xb1: {  	[dreg:$0x5] =	wrdreg $0x9  }
0xb2: {  	_ =	task.clear_ibuf [dreg:s6], $0x6FFFF;
	_ =	strace $0x90000046  }
0xb3: {  	s29 =	simm.s32 $0x9;
	_ =	strace $0x80000048  }
0xb4: {  	_ =	swait.ge [sflag:s29], $0x1  }
0xb5: {  	[sflag:s29] =	ssyncadd.s32 $0xFFFFFFFF  }
0xb6: {  	_ =	strace $0x90000048  }
0xb7: {  	_ =	sfence  }
0xb8: {  	s30 =	sld [smem:$0x0];
	_ =	sdelay $0x2  }
0xb9: {  	s31 =	sshll.u32 s1, $0xD;
	s1 =	sshrl.u32 s1, $0x2  }
0xba: {  	s3 =	sand.u32 $0x4000, s31;
	s1 =	sadd.s32 s1, s30  }
0xbb: {  	s0 =	sor.u32 s3, s0;
	s1 =	sshll.u32 s1, $0x11  }
0xbc: {  	s0 =	sor.u32 s1, s0  }
0xbd: {  	s0 =	sadd.s32 $0x8F2B, s0  }
0xbe: {  	[sflag:s0] =	ssyncadd.remote.s32 $0x1  }
0xbf: {  	_ =	sfence.sel $0xFFFF  }
0xc0: {  	[dreg:$0x0] =	wrdreg $0xFFFFFFFF;
	(pc) =	sbr.abs _section_cstart, $3  }
0xc1: {  	[dreg:$0x1] =	wrdreg $0xFFFFFFFF  }
0xc2: {  	_ =	task.clear_ibuf [dreg:s6], $0x2FFFF;
	_ =	strace $0x9FFFFFFF  }
0xc3: {  	(tm) =	ssettm $0x7FFFFFFF  }
tec
execute0_lowered:
.L_overlay_start_1:
0x0: {  	(tag) =	ssettag $0x1  }
0x1: {  	s0 =	rddreg [dreg:$0x0]  }
0x2: {  	s2 =	rddreg [dreg:$0x1];
	s1 =	srdreg.scid  }
0x3: {  	s13 =	stileid.u32;
	s3 =	rddreg [dreg:$0x2];
	s4 =	simm.s32 $0x0  }
0x4: {  	s16 =	simm.s32 $0x9;
	s18 =	simm.s32 $0xA400;
	s28 =	simm.s32 $0x3  }
0x5: {  	s29 =	simm.s32 $0x4;
	s30 =	simm.s32 $0x5;
	s6 =	smul.u32 $0x5200, s13  }
0x6: {  	s31 =	simm.s32 $0x6;
	s19 =	simm.s32 $0x0;
	s8 =	smul.u32 $0x9E00, s13  }
0x7: {  	s1 =	sand.u32 $0x1, s1;
	[smem:$0x7FF] =	sst s4;
	s10 =	smul.u32 $0x2780, s13  }
0x8: {  	s11 =	sadd.s32 $0x47E00, s0;
	s12 =	sadd.s32 $0x49200, s0;
	s21 =	sadd.s32 $0x49800, s0  }
0x9: {  	s5 =	smul.u32 $0x52000, s1;
	_ =	strace $0x80000047;
	[dreg:$0x4] =	wrdreg s11  }
0xa: {  	s25 =	sshll.u32 s13, $0x6;
	s9 =	smul.u32 $0x9E000, s1;
	[dreg:$0x5] =	wrdreg s12  }
0xb: {  	s20 =	smul.u32 $0x27800, s1;
	[dreg:$0x6] =	wrdreg s21;
	s1 =	ssub.s32 $0x2, s1  }
0xc: {  	s21 =	simm.s32 $0xAC00;
	s24 =	sshrl.u32 s1, $0x1;
	s17 =	sadd.s32 s10, s3  }
0xd: {  	s7 =	sadd.s32 s6, s5;
	s5 =	sadd.s32 $0x16800, s0;
	s6 =	sshrl.u32 s6, $0x3  }
0xe: {  	s9 =	sadd.s32 s8, s9;
	s11 =	sadd.s32 s10, s20;
	s1 =	ssub.s32 s1, s24  }
0xf: {  	s8 =	sadd.s32 s8, s2;
	s17 =	sshrl.u32 s17, $0x3;
	s20 =	simm.s32 $0x80  }
0x10: {  	s24 =	simm.s32 $0x10C00;
	s7 =	sshrl.u32 s7, $0x3;
	s6 =	sadd.s32 s6, s0  }
0x11: {  	s9 =	sshrl.u32 s9, $0x3;
	s23 =	sshrl.u32 s11, $0x3;
	s14 =	smax.u32 s1, $0x1  }
0x12: {  	s15 =	sshrl.u32 s8, $0x3;
	s1 =	simm.s32 $0x7;
	s7 =	sadd.s32 s7, s0  }
0x13: {  	s22 =	sadd.s32 s9, s0;
	s0 =	sadd.s32 s23, s0;
	s9 =	sor.u32 $0x1C09, s25  }
0x14: {  	s6 =	sadd.s32 $0x3DA00, s6;
	s23 =	simm.s32 $0xEC00;
	s25 =	simm.s32 $0x1  }
0x15: {  	s7 =	sadd.s32 $0x2000, s7;
	[dreg:$0x8] =	wrdreg s6;
	s26 =	sadd.s32 $0x53800, s22  }
0x16: {  	s13 =	sadd.s32 $0x49A00, s0;
	s22 =	simm.s32 $0xCC00;
	[dreg:$0x7] =	wrdreg s7  }
0x17: {  	s0 =	simm.s32 $0x8;
	[dreg:$0x9] =	wrdreg s26;
	s26 =	simm.s32 $0x2  }
.LBB2_1:
0x18: {  	s6 =	rddreg [dreg:$0x4]  }
0x19: {  	[spmem:s15], [sflag:s9] =	dma.local [hbm:s6], $0x13C0  }
0x1a: {  	_ =	swait.ge [sflag:s16], $0x13C0  }
0x1b: {  	[sflag:s16] =	ssyncset.done $0x0  }
0x1c: {  	s7 =	rddreg [dreg:$0x5];
	[sflag:s16] =	ssyncadd.s32 $0xFFFFEC40  }
0x1d: {  	[spmem:s17], [sflag:s9] =	dma.local [hbm:s7], $0x4F0  }
0x1e: {  	_ =	swait.ge [sflag:s16], $0x4F0  }
0x1f: {  	[sflag:s16] =	ssyncset.done $0x0  }
0x20: {  	s8 =	rddreg [dreg:$0x6];
	[sflag:s16] =	ssyncadd.s32 $0xFFFFFB10  }
0x21: {  	[tilespmem:s18], [sflag:$0x9] =	stream.linear.gather [hbm4b:s8+s4], $0x800, $0x38;
	[tilespmem:$0x1F180] =	vst v63  }
0x22: {  	_ =	swait.ge [sflag:s16], $0x800  }
0x23: {  	[sflag:s16] =	ssyncset.done $0x0  }
0x24: {  	s10 =	rddreg [dreg:$0x7];
	[sflag:s16] =	ssyncadd.s32 $0xFFFFF800  }
0x25: {  	[tilespmem:s4], [sflag:$0x9] =	stream.linear.gather [hbm4b:s10+s4], $0x5200, $0x38;
	[tilespmem:$0x1F180] =	vst v63  }
0x26: {  	_ =	swait.ge [sflag:s16], $0x5200  }
0x27: {  	[sflag:s16] =	ssyncset.done $0x0  }
0x28: {  	s7 =	simm.s32 $0x5200;
	s11 =	rddreg [dreg:$0x8];
	[sflag:s16] =	ssyncadd.s32 $0xFFFFAE00  }
0x29: {  	[tilespmem:s7], [sflag:$0x9] =	stream.linear.gather [hbm4b:s11+s4], $0x5200, $0x38;
	[tilespmem:$0x1F180] =	vst v63  }
0x2a: {  	_ =	swait.ge [sflag:s16], $0x5200  }
0x2b: {  	[sflag:s16] =	ssyncset.done $0x0  }
0x2c: {  	[sflag:s16] =	ssyncadd.s32 $0xFFFFAE00  }
0x2d: {  	s12 =	simm.s32 $0x0;
	[bflag:$0x0] =	sbarrier.arrive $0xFFFF  }
0x2e: {  	[tilespmem:s21], [sflag:$0x1] =	stream.indirect.gather [hbm4b:s5+s20], $0x40, s12, s20, $0xb8;
	[tilespmem:$0x1F180] =	vst v63  }
0x2f: {  	s7 =	simm.s32 $0x80  }
0x30: {  	[tilespmem:s22], [sflag:$0x2] =	stream.indirect.gather [hbm4b:s5+s20], $0x40, s7, s20, $0xb8;
	[tilespmem:$0x1F180] =	vst v63  }
0x31: {  	s8 =	simm.s32 $0x100  }
0x32: {  	[tilespmem:s23], [sflag:$0x3] =	stream.indirect.gather [hbm4b:s5+s20], $0x40, s8, s20, $0xb8;
	[tilespmem:$0x1F180] =	vst v63  }
0x33: {  	s10 =	simm.s32 $0x180  }
0x34: {  	[tilespmem:s24], [sflag:$0x4] =	stream.indirect.gather [hbm4b:s5+s20], $0x40, s10, s20, $0xb8;
	[tilespmem:$0x1F180] =	vst v63  }
0x35: {  	_ =	swait.ge [sflag:s25], $0x2000  }
0x36: {  	[sflag:s25] =	ssyncset.done $0x0  }
0x37: {  	[sflag:s25] =	ssyncadd.s32 $0xFFFFE000  }
0x38: {  	_ =	swait.ge [sflag:s26], $0x2000  }
0x39: {  	[sflag:s26] =	ssyncset.done $0x0  }
0x3a: {  	[sflag:s26] =	ssyncadd.s32 $0xFFFFE000  }
0x3b: {  	_ =	swait.ge [sflag:s28], $0x2000  }
0x3c: {  	[sflag:s28] =	ssyncset.done $0x0  }
0x3d: {  	[sflag:s28] =	ssyncadd.s32 $0xFFFFE000  }
0x3e: {  	_ =	swait.ge [sflag:s29], $0x2000  }
0x3f: {  	[sflag:s29] =	ssyncset.done $0x0  }
0x40: {  	s11 =	simm.s32 $0x5200;
	[sflag:s29] =	ssyncadd.s32 $0xFFFFE000  }
0x41: {  	[spmem:s2] =	stream.indirect.scatter.add.f32 [tilespmem:s21], [sflag:$0x1], $0x40, s11, s20, $0xb8;
	[tilespmem:$0x1F180] =	vst v63  }
0x42: {  	s12 =	simm.s32 $0x5280  }
0x43: {  	[spmem:s2] =	stream.indirect.scatter.add.f32 [tilespmem:s22], [sflag:$0x2], $0x40, s12, s20, $0xb8;
	[tilespmem:$0x1F180] =	vst v63  }
0x44: {  	s8 =	simm.s32 $0x5300  }
0x45: {  	[spmem:s2] =	stream.indirect.scatter.add.f32 [tilespmem:s23], [sflag:$0x3], $0x40, s8, s20, $0xb8;
	[tilespmem:$0x1F180] =	vst v63  }
0x46: {  	s10 =	simm.s32 $0x5380  }
0x47: {  	[spmem:s2] =	stream.indirect.scatter.add.f32 [tilespmem:s24], [sflag:$0x4], $0x40, s10, s20, $0xb8;
	[tilespmem:$0x1F180] =	vst v63  }
0x48: {  	_ = 	snop  }
0x49: {  	[spmem:s3] =	stream.indirect.scatter.add.f32 [tilespmem:s18], [sflag:$0x5], $0x10, s11, s20, $0xb8;
	[tilespmem:$0x1F180] =	vst v63  }
0x4a: {  	_ = 	snop  }
0x4b: {  	[spmem:s3] =	stream.indirect.scatter.add.f32 [tilespmem:s18], [sflag:$0x6], $0x10, s12, s20, $0xb8;
	[tilespmem:$0x1F180] =	vst v63  }
0x4c: {  	_ = 	snop  }
0x4d: {  	[spmem:s3] =	stream.indirect.scatter.add.f32 [tilespmem:s18], [sflag:$0x7], $0x10, s8, s20, $0xb8;
	[tilespmem:$0x1F180] =	vst v63  }
0x4e: {  	_ = 	snop  }
0x4f: {  	[spmem:s3] =	stream.indirect.scatter.add.f32 [tilespmem:s18], [sflag:$0x8], $0x10, s10, s20, $0xb8;
	[tilespmem:$0x1F180] =	vst v63  }
0x50: {  	_ =	swait.ge [sflag:s25], $0x2000  }
0x51: {  	[sflag:s25] =	ssyncset.done $0x0  }
0x52: {  	[sflag:s25] =	ssyncadd.s32 $0xFFFFE000  }
0x53: {  	_ =	swait.ge [sflag:s26], $0x2000  }
0x54: {  	[sflag:s26] =	ssyncset.done $0x0  }
0x55: {  	[sflag:s26] =	ssyncadd.s32 $0xFFFFE000  }
0x56: {  	_ =	swait.ge [sflag:s28], $0x2000  }
0x57: {  	[sflag:s28] =	ssyncset.done $0x0  }
0x58: {  	[sflag:s28] =	ssyncadd.s32 $0xFFFFE000  }
0x59: {  	_ =	swait.ge [sflag:s29], $0x2000  }
0x5a: {  	[sflag:s29] =	ssyncset.done $0x0  }
0x5b: {  	[sflag:s29] =	ssyncadd.s32 $0xFFFFE000  }
0x5c: {  	_ =	swait.ge [sflag:s30], $0x800  }
0x5d: {  	[sflag:s30] =	ssyncset.done $0x0  }
0x5e: {  	[sflag:s30] =	ssyncadd.s32 $0xFFFFF800  }
0x5f: {  	_ =	swait.ge [sflag:s31], $0x800  }
0x60: {  	[sflag:s31] =	ssyncset.done $0x0  }
0x61: {  	[sflag:s31] =	ssyncadd.s32 $0xFFFFF800  }
0x62: {  	_ =	swait.ge [sflag:s1], $0x800  }
0x63: {  	[sflag:s1] =	ssyncset.done $0x0  }
0x64: {  	[sflag:s1] =	ssyncadd.s32 $0xFFFFF800  }
0x65: {  	_ =	swait.ge [sflag:s0], $0x800  }
0x66: {  	s6 =	simm.s32 $0x800;
	s7 =	simm.s32 $0x1000;
	[sflag:s0] =	ssyncset.done $0x0  }
.LBB2_2:
0x67: {  	s10 =	sshra.s32 s6, $0x2  }
0x68: {  	[sflag:s0] =	ssyncadd.s32 $0xFFFFF800;
	s6 =	smov.u32 s7;
	s8 =	sadd.s32 $0x800, s7  }
0x69: {  	[tilespmem:s21], [sflag:$0x1] =	stream.indirect.gather [hbm4b:s5+s20], $0x40, s10, s20, $0xb8;
	[tilespmem:$0x1F180] =	vst v63  }
0x6a: {  	p0 =	sne.s32 s7, $0x13800;
	s7 =	sadd.s32 $0x80, s10  }
0x6b: {  	[tilespmem:s22], [sflag:$0x2] =	stream.indirect.gather [hbm4b:s5+s20], $0x40, s7, s20, $0xb8;
	[tilespmem:$0x1F180] =	vst v63  }
0x6c: {  	s7 =	sadd.s32 $0x100, s10  }
0x6d: {  	[tilespmem:s23], [sflag:$0x3] =	stream.indirect.gather [hbm4b:s5+s20], $0x40, s7, s20, $0xb8;
	[tilespmem:$0x1F180] =	vst v63  }
0x6e: {  	s7 =	sadd.s32 $0x180, s10  }
0x6f: {  	[tilespmem:s24], [sflag:$0x4] =	stream.indirect.gather [hbm4b:s5+s20], $0x40, s7, s20, $0xb8;
	[tilespmem:$0x1F180] =	vst v63  }
0x70: {  	_ =	swait.ge [sflag:s25], $0x2000  }
0x71: {  	[sflag:s25] =	ssyncset.done $0x0  }
0x72: {  	[sflag:s25] =	ssyncadd.s32 $0xFFFFE000  }
0x73: {  	_ =	swait.ge [sflag:s26], $0x2000  }
0x74: {  	[sflag:s26] =	ssyncset.done $0x0  }
0x75: {  	[sflag:s26] =	ssyncadd.s32 $0xFFFFE000  }
0x76: {  	_ =	swait.ge [sflag:s28], $0x2000  }
0x77: {  	[sflag:s28] =	ssyncset.done $0x0  }
0x78: {  	[sflag:s28] =	ssyncadd.s32 $0xFFFFE000  }
0x79: {  	_ =	swait.ge [sflag:s29], $0x2000  }
0x7a: {  	[sflag:s29] =	ssyncset.done $0x0  }
0x7b: {  	s7 =	sadd.s32 $0x5200, s10;
	[sflag:s29] =	ssyncadd.s32 $0xFFFFE000  }
0x7c: {  	[spmem:s2] =	stream.indirect.scatter.add.f32 [tilespmem:s21], [sflag:$0x1], $0x40, s7, s20, $0xb8;
	[tilespmem:$0x1F180] =	vst v63  }
0x7d: {  	s11 =	sadd.s32 $0x5280, s10  }
0x7e: {  	[spmem:s2] =	stream.indirect.scatter.add.f32 [tilespmem:s22], [sflag:$0x2], $0x40, s11, s20, $0xb8;
	[tilespmem:$0x1F180] =	vst v63  }
0x7f: {  	s12 =	sadd.s32 $0x5300, s10  }
0x80: {  	[spmem:s2] =	stream.indirect.scatter.add.f32 [tilespmem:s23], [sflag:$0x3], $0x40, s12, s20, $0xb8;
	[tilespmem:$0x1F180] =	vst v63  }
0x81: {  	s10 =	sadd.s32 $0x5380, s10  }
0x82: {  	[spmem:s2] =	stream.indirect.scatter.add.f32 [tilespmem:s24], [sflag:$0x4], $0x40, s10, s20, $0xb8;
	[tilespmem:$0x1F180] =	vst v63  }
0x83: {  	_ = 	snop  }
0x84: {  	[spmem:s3] =	stream.indirect.scatter.add.f32 [tilespmem:s18], [sflag:$0x5], $0x10, s7, s20, $0xb8;
	[tilespmem:$0x1F180] =	vst v63  }
0x85: {  	_ = 	snop  }
0x86: {  	[spmem:s3] =	stream.indirect.scatter.add.f32 [tilespmem:s18], [sflag:$0x6], $0x10, s11, s20, $0xb8;
	[tilespmem:$0x1F180] =	vst v63  }
0x87: {  	_ = 	snop  }
0x88: {  	[spmem:s3] =	stream.indirect.scatter.add.f32 [tilespmem:s18], [sflag:$0x7], $0x10, s12, s20, $0xb8;
	[tilespmem:$0x1F180] =	vst v63  }
0x89: {  	_ = 	snop  }
0x8a: {  	[spmem:s3] =	stream.indirect.scatter.add.f32 [tilespmem:s18], [sflag:$0x8], $0x10, s10, s20, $0xb8;
	[tilespmem:$0x1F180] =	vst v63  }
0x8b: {  	_ =	swait.ge [sflag:s25], $0x2000  }
0x8c: {  	[sflag:s25] =	ssyncset.done $0x0  }
0x8d: {  	[sflag:s25] =	ssyncadd.s32 $0xFFFFE000  }
0x8e: {  	_ =	swait.ge [sflag:s26], $0x2000  }
0x8f: {  	[sflag:s26] =	ssyncset.done $0x0  }
0x90: {  	[sflag:s26] =	ssyncadd.s32 $0xFFFFE000  }
0x91: {  	_ =	swait.ge [sflag:s28], $0x2000  }
0x92: {  	[sflag:s28] =	ssyncset.done $0x0  }
0x93: {  	[sflag:s28] =	ssyncadd.s32 $0xFFFFE000  }
0x94: {  	_ =	swait.ge [sflag:s29], $0x2000  }
0x95: {  	[sflag:s29] =	ssyncset.done $0x0  }
0x96: {  	[sflag:s29] =	ssyncadd.s32 $0xFFFFE000  }
0x97: {  	_ =	swait.ge [sflag:s30], $0x800  }
0x98: {  	[sflag:s30] =	ssyncset.done $0x0  }
0x99: {  	[sflag:s30] =	ssyncadd.s32 $0xFFFFF800  }
0x9a: {  	_ =	swait.ge [sflag:s31], $0x800  }
0x9b: {  	[sflag:s31] =	ssyncset.done $0x0  }
0x9c: {  	[sflag:s31] =	ssyncadd.s32 $0xFFFFF800  }
.Ltmp0:
0x9d: {  	_ =	swait.ge [sflag:s1], $0x800;
	(pc) =	sbr.rel @p0 .LBB2_2-.Ltmp0, $4  }
0x9e: {  	[sflag:s1] =	ssyncset.done $0x0  }
0x9f: {  	[sflag:s1] =	ssyncadd.s32 $0xFFFFF800  }
0xa0: {  	_ =	swait.ge [sflag:s0], $0x800  }
0xa1: {  	s7 =	smov.u32 s8;
	[sflag:s0] =	ssyncset.done $0x0  }
0xa2: {  	s6 =	sshra.s32 s6, $0x2;
	[sflag:s0] =	ssyncadd.s32 $0xFFFFF800  }
0xa3: {  	[tilespmem:s21], [sflag:$0x1] =	stream.indirect.gather [hbm4b:s5+s20], $0x40, s6, s20, $0xb8;
	[tilespmem:$0x1F180] =	vst v63  }
0xa4: {  	s7 =	sadd.s32 $0x80, s6  }
0xa5: {  	[tilespmem:s22], [sflag:$0x2] =	stream.indirect.gather [hbm4b:s5+s20], $0x40, s7, s20, $0xb8;
	[tilespmem:$0x1F180] =	vst v63  }
0xa6: {  	s8 =	sadd.s32 $0x100, s6  }
0xa7: {  	[tilespmem:s23], [sflag:$0x3] =	stream.indirect.gather [hbm4b:s5+s20], $0x40, s8, s20, $0xb8;
	[tilespmem:$0x1F180] =	vst v63  }
0xa8: {  	s10 =	sadd.s32 $0x180, s6  }
0xa9: {  	[tilespmem:s24], [sflag:$0x4] =	stream.indirect.gather [hbm4b:s5+s20], $0x40, s10, s20, $0xb8;
	[tilespmem:$0x1F180] =	vst v63  }
0xaa: {  	_ =	swait.ge [sflag:s25], $0x2000  }
0xab: {  	[sflag:s25] =	ssyncset.done $0x0  }
0xac: {  	[sflag:s25] =	ssyncadd.s32 $0xFFFFE000  }
0xad: {  	_ =	swait.ge [sflag:s26], $0x2000  }
0xae: {  	[sflag:s26] =	ssyncset.done $0x0  }
0xaf: {  	[sflag:s26] =	ssyncadd.s32 $0xFFFFE000  }
0xb0: {  	_ =	swait.ge [sflag:s28], $0x2000  }
0xb1: {  	[sflag:s28] =	ssyncset.done $0x0  }
0xb2: {  	[sflag:s28] =	ssyncadd.s32 $0xFFFFE000  }
0xb3: {  	_ =	swait.ge [sflag:s29], $0x2000  }
0xb4: {  	[sflag:s29] =	ssyncset.done $0x0  }
0xb5: {  	s11 =	sadd.s32 $0x5200, s6;
	[sflag:s29] =	ssyncadd.s32 $0xFFFFE000  }
0xb6: {  	[spmem:s2] =	stream.indirect.scatter.add.f32 [tilespmem:s21], [sflag:$0x1], $0x40, s11, s20, $0xb8;
	[tilespmem:$0x1F180] =	vst v63  }
0xb7: {  	s8 =	sadd.s32 $0x5280, s6  }
0xb8: {  	[spmem:s2] =	stream.indirect.scatter.add.f32 [tilespmem:s22], [sflag:$0x2], $0x40, s8, s20, $0xb8;
	[tilespmem:$0x1F180] =	vst v63  }
0xb9: {  	s10 =	sadd.s32 $0x5300, s6  }
0xba: {  	[spmem:s2] =	stream.indirect.scatter.add.f32 [tilespmem:s23], [sflag:$0x3], $0x40, s10, s20, $0xb8;
	[tilespmem:$0x1F180] =	vst v63  }
0xbb: {  	s6 =	sadd.s32 $0x5380, s6  }
0xbc: {  	[spmem:s2] =	stream.indirect.scatter.add.f32 [tilespmem:s24], [sflag:$0x4], $0x40, s6, s20, $0xb8;
	[tilespmem:$0x1F180] =	vst v63  }
0xbd: {  	_ = 	snop  }
0xbe: {  	[spmem:s3] =	stream.indirect.scatter.add.f32 [tilespmem:s18], [sflag:$0x5], $0x10, s11, s20, $0xb8;
	[tilespmem:$0x1F180] =	vst v63  }
0xbf: {  	_ = 	snop  }
0xc0: {  	[spmem:s3] =	stream.indirect.scatter.add.f32 [tilespmem:s18], [sflag:$0x6], $0x10, s8, s20, $0xb8;
	[tilespmem:$0x1F180] =	vst v63  }
0xc1: {  	_ = 	snop  }
0xc2: {  	[spmem:s3] =	stream.indirect.scatter.add.f32 [tilespmem:s18], [sflag:$0x7], $0x10, s10, s20, $0xb8;
	[tilespmem:$0x1F180] =	vst v63  }
0xc3: {  	_ = 	snop  }
0xc4: {  	[spmem:s3] =	stream.indirect.scatter.add.f32 [tilespmem:s18], [sflag:$0x8], $0x10, s6, s20, $0xb8;
	[tilespmem:$0x1F180] =	vst v63  }
0xc5: {  	_ =	swait.ge [sflag:s25], $0x2000  }
0xc6: {  	[sflag:s25] =	ssyncset.done $0x0  }
0xc7: {  	[sflag:s25] =	ssyncadd.s32 $0xFFFFE000  }
0xc8: {  	_ =	swait.ge [sflag:s26], $0x2000  }
0xc9: {  	[sflag:s26] =	ssyncset.done $0x0  }
0xca: {  	[sflag:s26] =	ssyncadd.s32 $0xFFFFE000  }
0xcb: {  	_ =	swait.ge [sflag:s28], $0x2000  }
0xcc: {  	[sflag:s28] =	ssyncset.done $0x0  }
0xcd: {  	[sflag:s28] =	ssyncadd.s32 $0xFFFFE000  }
0xce: {  	_ =	swait.ge [sflag:s29], $0x2000  }
0xcf: {  	[sflag:s29] =	ssyncset.done $0x0  }
0xd0: {  	[sflag:s29] =	ssyncadd.s32 $0xFFFFE000  }
0xd1: {  	_ =	swait.ge [sflag:s30], $0x800  }
0xd2: {  	[sflag:s30] =	ssyncset.done $0x0  }
0xd3: {  	[sflag:s30] =	ssyncadd.s32 $0xFFFFF800  }
0xd4: {  	_ =	swait.ge [sflag:s31], $0x800  }
0xd5: {  	[sflag:s31] =	ssyncset.done $0x0  }
0xd6: {  	[sflag:s31] =	ssyncadd.s32 $0xFFFFF800  }
0xd7: {  	_ =	swait.ge [sflag:s1], $0x800  }
0xd8: {  	[sflag:s1] =	ssyncset.done $0x0  }
0xd9: {  	[sflag:s1] =	ssyncadd.s32 $0xFFFFF800  }
0xda: {  	_ =	swait.ge [sflag:s0], $0x800  }
0xdb: {  	[sflag:s0] =	ssyncset.done $0x0  }
0xdc: {  	[sflag:s0] =	ssyncadd.s32 $0xFFFFF800  }
0xdd: {  	[bflag:$0x0] =	sbarrier.arrive $0xFFFF  }
0xde: {  	s12 =	rddreg [dreg:$0x9]  }
0xdf: {  	[hbm:s12], [sflag:s9] =	dma.local [spmem:s15], $0x13C0  }
0xe0: {  	s19 =	sadd.s32 $0x1, s19;
	_ =	swait.ge [sflag:s16], $0x13C0  }
0xe1: {  	p0 =	sne.s32 s19, s14;
	[sflag:s16] =	ssyncset.done $0x0  }
.Ltmp1:
0xe2: {  	[sflag:s16] =	ssyncadd.s32 $0xFFFFEC40;
	(pc) =	sbr.rel @p0 .LBB2_1-.Ltmp1, $4  }
0xe3: {  	[hbm:s13], [sflag:s9] =	dma.local [spmem:s17], $0x4F0  }
0xe4: {  	_ =	swait.ge [sflag:s16], $0x4F0  }
0xe5: {  	[sflag:s16] =	ssyncset.done $0x0  }
0xe6: {  	[sflag:s16] =	ssyncadd.s32 $0xFFFFFB10  }
0xe7: {  	_ =	sfence.sel $0x180000  }
0xe8: {  	[bflag:$0x0] =	sbarrier.arrive $0xFFFF  }
0xe9: {  	_ =	strace $0x90000047  }
0xea: {  	s0 =	stileid.u32;
	[bflag:$0x2] =	sbarrier.arrive $0xFFFF  }
0xeb: {  	p0 =	sne.s32 s0, $0x0;
	s0 =	rddreg [dreg:$0x3]  }
0xec: {  	s0 =	sadd.s32 @!p0 $0x100000, s0  }
0xed: {  	[sflag:s0] =	ssyncadd.tile.s32 @!p0 $0x1;
	_ =	shalt  }
.Lfunc_end2:
_tile_overlayer_lowered:
.L_overlay_start_2:
0xee: {  	(tag) =	ssettag $0x2  }
0xef: {  	s0 =	rddreg [dreg:$0x0];
	s2 =	stileid.u32  }
0xf0: {  	s1 =	rddreg [dreg:$0x1];
	p0 =	sne.s32 s2, $0x0  }
0xf1: {  	s3 =	rddreg [dreg:$0x2];
	[bflag:$0x3] =	sbarrier.arrive $0xFFFF;
	s2 =	simm.s32 @!p0 $0x1C09  }
0xf2: {  	[timem:s3], [sflag:s2] =	dma.local @!p0 [hbm:s0], s1  }
0xf3: {  	s0 =	simm.s32 @!p0 $0x9  }
0xf4: {  	_ =	swait.ge @!p0 [sflag:s0], s1  }
0xf5: {  	s1 =	ssub.s32 @!p0 $0x0, s1;
	[sflag:s0] =	ssyncset.done @!p0 $0x0  }
0xf6: {  	[sflag:s0] =	ssyncadd.s32 @!p0 s1  }
0xf7: {  	[bflag:$0x3] =	sbarrier.arrive $0xFFFF  }
0xf8: {  	_ =	shalt  }

// kernel: kernel.9.cloned.1.call-start
scs
__scs_entry_jumppad:
0x0: {  	(pc) =	sbr.rel $0x88, $3  }
0x1: {  	(tag) =	ssettag $0x0;
	lr =	simm.s32 $0x1  }
0x2: {  	[smem:$0x3F8D] =	sst lr;
	_ =	strace $0xD0000000  }
0x3: {  	_ = 	snop  }
0x4: {  	_ = 	snop  }
0x5: {  	_ = 	snop  }
0x6: {  	_ = 	snop  }
0x7: {  	_ = 	snop  }
__scs_overlays_trampoline_lowered:
0x8: {  	[smem:$0x3F9C] =	sst s0  }
0x9: {  	[smem:$0x3F9D] =	sst s1  }
0xa: {  	[smem:$0x3F9E] =	sst s2  }
0xb: {  	[smem:$0x3F9F] =	sst s3  }
0xc: {  	[smem:$0x3FA0] =	sst s4  }
0xd: {  	[smem:$0x3FA1] =	sst s5  }
0xe: {  	[smem:$0x3FA2] =	sst s6  }
0xf: {  	[smem:$0x3FA3] =	sst s7  }
0x10: {  	[smem:$0x3FA4] =	sst s8  }
0x11: {  	[smem:$0x3FA5] =	sst s9;
	s0 =	simm.s32 @!p0 $0x0  }
0x12: {  	s1 =	sld [smem:$0x3F8B];
	s0 =	simm.s32 @p0 $0x1  }
0x13: {  	[smem:$0x3FA6] =	sst s0;
	s0 =	simm.s32 @!p1 $0x0  }
0x14: {  	s2 =	sld [smem:$0x3F8A];
	s0 =	simm.s32 @p1 $0x1  }
0x15: {  	[smem:$0x3FA7] =	sst s0;
	s0 =	simm.s32 @!p2 $0x0  }
0x16: {  	s3 =	sld [smem:$0x3FDB];
	s0 =	simm.s32 @p2 $0x1  }
0x17: {  	s4 =	simm.s32 $0x1BF5;
	[smem:$0x3FA9] =	sst s0  }
0x18: {  	s0 =	sld [smem:$0x3F8C];
	_ =	swait.ge [sflag:s4], $0x0  }
0x19: {  	s7 =	sld [smem:$0x3F8D]  }
0x1a: {  	s8 =	sadd.s32 $0xFFFFE003, lr  }
0x1b: {  	s9 =	sadd.s32 $0xFFFFFEF7, lr;
	s5 =	simm.s32 $0xFFFFFFFF;
	p2 =	slt.u32 s8, $0xFFFFF086  }
0x1c: {  	p1 =	slt.u32 s9, $0xF7A;
	s5 =	simm.s32 @!p2 $0x0  }
0x1d: {  	s5 =	simm.s32 @p1 $0x1;
	p0 =	seq.s32 s7, s2  }
0x1e: {  	s7 =	smul.u32 @!p0 $0xF7A, s2;
	p2 =	seq.s32 @!p0 s5, $0x0  }
0x1f: {  	s9 =	smul.u32 $0xF7A, s1;
	s8 =	simm.s32 @!p0 $0x1BF5;
	p2 =	por !p2, p0  }
0x20: {  	[sflag:s8] =	ssyncset.s32 @!p0 $0xFFFFF086;
	s6 =	sadd.s32 @!p0 s3, s7;
	s7 =	simm.s32 @!p0 $0x108  }
0x21: {  	s3 =	sadd.s32 s3, s9;
	s6 =	sadd.s32 @!p0 $0x88, s6;
	s7 =	simm.s32 @p2 $0x1082  }
0x22: {  	[simem:s7], [sflag:s8] =	dma.local @!p0 [hbm:s6], $0xF7A  }
0x23: {  	s9 =	sor.u32 $0xD0000000, s2;
	s6 =	simm.s32 $0x108;
	_ =	swait.ge @!p0 [sflag:s8], $0x0  }
0x24: {  	s3 =	sadd.s32 $0x88, s3;
	s6 =	simm.s32 @!p1 $0x1082;
	[sflag:s4] =	ssyncset.s32 $0xFFFFF086  }
0x25: {  	[simem:s6], [sflag:s4] =	dma.local [hbm:s3], $0xF7A  }
0x26: {  	[smem:$0x3F8D] =	sst s1;
	(tag) =	ssettag s2;
	_ =	strace s9  }
0x27: {  	s1 =	sld [smem:$0x3F9D]  }
0x28: {  	s2 =	sld [smem:$0x3F9E]  }
0x29: {  	s4 =	sld [smem:$0x3FA0]  }
0x2a: {  	p0 =	seq.s32 s5, $0x0;
	s5 =	sld [smem:$0x3FA1]  }
0x2b: {  	s6 =	sld [smem:$0x3FA2]  }
0x2c: {  	s7 =	sld [smem:$0x3FA3]  }
0x2d: {  	s3 =	simm.s32 $0x108;
	s8 =	sld [smem:$0x3FA4]  }
0x2e: {  	s3 =	simm.s32 @!p0 $0x1082;
	s9 =	sld [smem:$0x3FA5]  }
0x2f: {  	lr =	sadd.s32 s0, s3;
	s0 =	sld [smem:$0x3F9C]  }
0x30: {  	s3 =	sld [smem:$0x3F9F]  }
0x31: {  	[smem:$0x3FA8] =	sst s10  }
0x32: {  	s10 =	sld [smem:$0x3FA6];
	_ =	sdelay $0x3  }
0x33: {  	p0 =	seq.s32 s10, $0x1;
	s10 =	sld [smem:$0x3FA8];
	_ =	sdelay $0x3  }
0x34: {  	[smem:$0x3FA8] =	sst s10  }
0x35: {  	s10 =	sld [smem:$0x3FA7];
	_ =	sdelay $0x3  }
0x36: {  	p1 =	seq.s32 s10, $0x1;
	s10 =	sld [smem:$0x3FA8];
	_ =	sdelay $0x3  }
0x37: {  	[smem:$0x3FA8] =	sst s10  }
0x38: {  	s10 =	sld [smem:$0x3FA9]  }
0x39: {  	_ = 	snop;
	(pc) =	sbr.ind lr, $3  }
0x3a: {  	_ = 	snop  }
0x3b: {  	_ = 	snop  }
0x3c: {  	p2 =	seq.s32 s10, $0x1;
	s10 =	sld [smem:$0x3FA8]  }
0x3d: {  	_ =	shalt  }
0x3e: {  	_ =	shalt  }
0x3f: {  	_ =	shalt  }
0x40: {  	_ =	shalt  }
0x41: {  	_ =	shalt  }
0x42: {  	_ =	shalt  }
0x43: {  	_ =	shalt  }
0x44: {  	_ =	shalt  }
0x45: {  	_ =	shalt  }
0x46: {  	_ =	shalt  }
0x47: {  	_ =	shalt  }
0x48: {  	_ =	shalt  }
0x49: {  	_ =	shalt  }
0x4a: {  	_ =	shalt  }
0x4b: {  	_ =	shalt  }
0x4c: {  	_ =	shalt  }
0x4d: {  	_ =	shalt  }
0x4e: {  	_ =	shalt  }
0x4f: {  	_ =	shalt  }
0x50: {  	_ =	shalt  }
0x51: {  	_ =	shalt  }
0x52: {  	_ =	shalt  }
0x53: {  	_ =	shalt  }
0x54: {  	_ =	shalt  }
0x55: {  	_ =	shalt  }
0x56: {  	_ =	shalt  }
0x57: {  	_ =	shalt  }
0x58: {  	_ =	shalt  }
0x59: {  	_ =	shalt  }
0x5a: {  	_ =	shalt  }
0x5b: {  	_ =	shalt  }
0x5c: {  	_ =	shalt  }
0x5d: {  	_ =	shalt  }
0x5e: {  	_ =	shalt  }
0x5f: {  	_ =	shalt  }
0x60: {  	_ =	shalt  }
0x61: {  	_ =	shalt  }
0x62: {  	_ =	shalt  }
0x63: {  	_ =	shalt  }
0x64: {  	_ =	shalt  }
0x65: {  	_ =	shalt  }
0x66: {  	_ =	shalt  }
0x67: {  	_ =	shalt  }
0x68: {  	_ =	shalt  }
0x69: {  	_ =	shalt  }
0x6a: {  	_ =	shalt  }
0x6b: {  	_ =	shalt  }
0x6c: {  	_ =	shalt  }
0x6d: {  	_ =	shalt  }
0x6e: {  	_ =	shalt  }
0x6f: {  	_ =	shalt  }
0x70: {  	_ =	shalt  }
0x71: {  	_ =	shalt  }
0x72: {  	_ =	shalt  }
0x73: {  	_ =	shalt  }
0x74: {  	_ =	shalt  }
0x75: {  	_ =	shalt  }
0x76: {  	_ =	shalt  }
0x77: {  	_ =	shalt  }
0x78: {  	_ =	shalt  }
0x79: {  	_ =	shalt  }
0x7a: {  	_ =	shalt  }
0x7b: {  	_ =	shalt  }
0x7c: {  	_ =	shalt  }
0x7d: {  	_ =	shalt  }
0x7e: {  	_ =	shalt  }
0x7f: {  	_ =	shalt  }
0x80: {  	_ =	shalt  }
0x81: {  	_ =	shalt  }
0x82: {  	_ =	shalt  }
0x83: {  	_ =	shalt  }
0x84: {  	_ =	shalt  }
0x85: {  	_ =	shalt  }
0x86: {  	_ =	shalt  }
0x87: {  	_ =	shalt  }
.Lfunc_end0:
.L_simem_size_0:
called_computation.1_lowered:
.L_overlay_start_0:
0x88: {  	s2 =	sld [smem:$0x3FD9]  }
0x89: {  	s3 =	sld [smem:$0x3FFE];
	_ =	sdelay $0x1  }
0x8a: {  	s1 =	srdreg.scid  }
0x8b: {  	s0 =	sand.u32 $0x1, s1  }
0x8c: {  	s16 =	sshll.u32 s0, $0xA;
	s2 =	sadd.s32 s3, s2  }
0x8d: {  	s2 =	sadd.s32 s2, s16  }
0x8e: {  	[smem:$0x3FB4] =	sst s2  }
0x8f: {  	_ = 	snop  }
0x90: {  	(tm) =	ssettm $0x1  }
0x91: {  	s17 =	sld [smem:$0x3FFB];
	_ =	sdelay $0x3  }
0x92: {  	_ =	strace s17  }
0x93: {  	s2 =	sld [smem:$0x3FFC];
	_ =	sdelay $0x3  }
0x94: {  	_ =	strace s2  }
0x95: {  	s2 =	sld [smem:$0x3FFD];
	_ =	sdelay $0x3  }
0x96: {  	_ =	strace s2  }
0x97: {  	_ =	strace $0x8FFFFFFF  }
0x98: {  	s18 =	sld [smem:$0x3FDB];
	_ =	sdelay $0x1  }
0x99: {  	s19 =	simm.s32 $_scs_section_size  }
0x9a: {  	s4 =	simm.s32 $_size__tile_overlayer_lowered;
	s5 =	simm.s32 $_tile_overlayer_lowered  }
0x9b: {  	s22 =	simm.s32 $0x1BFF;
	s21 =	sshll.u32 s5, $0x1;
	s2 =	sadd.s32 s19, s18  }
0x9c: {  	s6 =	simm.s32 $0x0;
	s20 =	sshll.u32 s4, $0x1;
	s4 =	sadd.s32 s21, s2  }
0x9d: {  	[timem:s6], [sflag:s22] =	dma.local [hbm:s4], s20  }
0x9e: {  	_ =	swait.ge [sflag:s22], s20  }
0x9f: {  	s3 =	ssub.s32 $0x0, s20;
	[sflag:s22] =	ssyncset.done $0x0  }
0xa0: {  	[sflag:s22] =	ssyncadd.s32 s3;
	_ =	sdelay $0x1  }
0xa1: {  	s23 =	simm.s32 $0x1B8B  }
0xa2: {  	_ =	swait.ge [sflag:s23], $0x1  }
0xa3: {  	[sflag:s23] =	ssyncset.done $0x0  }
0xa4: {  	s25 =	simm.s32 $0x1B8E;
	s24 =	sld [smem:$0x3FFE];
	[sflag:s23] =	ssyncadd.s32 $0xFFFFFFFF  }
0xa5: {  	s26 =	simm.s32 $execute0_lowered;
	[smem:$0x3FD2] =	sst s25  }
0xa6: {  	s4 =	sshll.u32 s26, $0x1;
	_ =	strace $0x80000049;
	[dreg:$0x1] =	wrdreg $0xFFFFFFFF  }
0xa7: {  	s28 =	simm.s32 $_size_execute0_lowered;
	s2 =	sadd.s32 s2, s4;
	[dreg:$0x0] =	wrdreg $0x0  }
0xa8: {  	s4 =	sshll.u32 s28, $0x1;
	[dreg:$0x2] =	wrdreg s2  }
0xa9: {  	[dreg:$0x3] =	wrdreg s4  }
0xaa: {  	[dreg:$0x4] =	wrdreg $0xC0  }
0xab: {  	_ =	task [dreg:s6], $0x5FFFF  }
0xac: {  	[dreg:$0x1] =	wrdreg $0xFFFFFFFF  }
0xad: {  	[dreg:$0x0] =	wrdreg $0x60  }
0xae: {  	[dreg:$0x2] =	wrdreg s24  }
0xaf: {  	[dreg:$0x3] =	wrdreg $0xD4000  }
0xb0: {  	[dreg:$0x4] =	wrdreg $0x9  }
0xb1: {  	_ =	task.clear_ibuf [dreg:s6], $0x5FFFF;
	_ =	strace $0x90000049  }
0xb2: {  	s29 =	simm.s32 $0x9;
	_ =	strace $0x8000004B  }
0xb3: {  	_ =	swait.ge [sflag:s29], $0x1  }
0xb4: {  	[sflag:s29] =	ssyncadd.s32 $0xFFFFFFFF  }
0xb5: {  	_ =	strace $0x9000004B  }
0xb6: {  	_ =	sfence  }
0xb7: {  	s30 =	sld [smem:$0x0];
	_ =	sdelay $0x2  }
0xb8: {  	s31 =	sshll.u32 s1, $0xD;
	s1 =	sshrl.u32 s1, $0x2  }
0xb9: {  	s3 =	sand.u32 $0x4000, s31;
	s1 =	sadd.s32 s1, s30  }
0xba: {  	s0 =	sor.u32 s3, s0;
	s1 =	sshll.u32 s1, $0x11  }
0xbb: {  	s0 =	sor.u32 s1, s0  }
0xbc: {  	s0 =	sadd.s32 $0x8F2B, s0  }
0xbd: {  	[sflag:s0] =	ssyncadd.remote.s32 $0x1  }
0xbe: {  	_ =	sfence.sel $0xFFFF  }
0xbf: {  	[dreg:$0x0] =	wrdreg $0xFFFFFFFF;
	(pc) =	sbr.abs _section_cstart, $3  }
0xc0: {  	[dreg:$0x1] =	wrdreg $0xFFFFFFFF  }
0xc1: {  	_ =	task.clear_ibuf [dreg:s6], $0x2FFFF;
	_ =	strace $0x9FFFFFFF  }
0xc2: {  	(tm) =	ssettm $0x7FFFFFFF  }
0xc3: {  	_ =	shalt  }
tec
execute0_lowered:
.L_overlay_start_1:
0x0: {  	(tag) =	ssettag $0x1  }
0x1: {  	s6 =	rddreg [dreg:$0x0];
	s0 =	srdreg.scid  }
0x2: {  	s2 =	rddreg [dreg:$0x1];
	s1 =	stileid.u32  }
0x3: {  	s3 =	simm.s32 $0x0;
	s13 =	simm.s32 $0x2A00;
	s14 =	simm.s32 $0x80  }
0x4: {  	s15 =	simm.s32 $0x5400;
	s16 =	simm.s32 $0x7400;
	s17 =	simm.s32 $0x9400  }
0x5: {  	s18 =	simm.s32 $0xB400;
	s19 =	simm.s32 $0x1;
	s20 =	simm.s32 $0x2  }
0x6: {  	s21 =	simm.s32 $0x3;
	s22 =	simm.s32 $0x4;
	s23 =	simm.s32 $0x0  }
0x7: {  	s5 =	sand.u32 $0x1, s0;
	s0 =	rddreg [dreg:$0x2];
	s7 =	smul.u32 $0x9E00, s1  }
0x8: {  	[smem:$0x7FF] =	sst s3;
	s31 =	sshll.u32 s1, $0x6;
	s4 =	sshll.u32 s5, $0x4  }
0x9: {  	s8 =	smul.u32 $0x9E000, s5;
	_ =	strace $0x8000004A;
	s10 =	ssub.s32 $0x2, s5  }
0xa: {  	s5 =	sadd.s32 $0x47E00, s6;
	s4 =	sor.u32 s1, s4;
	s30 =	sshrl.u32 s10, $0x1  }
0xb: {  	s12 =	sadd.s32 s7, s2;
	s9 =	smul.u32 $0x540, s4;
	s8 =	sadd.s32 s7, s8  }
0xc: {  	s4 =	sadd.s32 $0x29200, s6;
	s10 =	ssub.s32 s10, s30;
	s8 =	sshrl.u32 s8, $0x3  }
0xd: {  	s10 =	smax.u32 s10, $0x1;
	s9 =	sadd.s32 s9, s6;
	s11 =	sadd.s32 s8, s6  }
0xe: {  	s6 =	sor.u32 $0x1C05, s31;
	s7 =	sadd.s32 $0x86800, s9;
	s8 =	sadd.s32 $0x7C000, s9  }
0xf: {  	s9 =	sadd.s32 $0x91000, s11;
	s11 =	sshrl.u32 s12, $0x3;
	s12 =	simm.s32 $0x5  }
.LBB2_1:
0x10: {  	[spmem:s11], [sflag:s6] =	dma.local [hbm:s5], $0x13C0  }
0x11: {  	_ =	swait.ge [sflag:s12], $0x13C0  }
0x12: {  	[sflag:s12] =	ssyncset.done $0x0  }
0x13: {  	[sflag:s12] =	ssyncadd.s32 $0xFFFFEC40  }
0x14: {  	[tilespmem:s3], [sflag:$0x5] =	stream.linear.gather [hbm4b:s7+s3], $0x2A00, $0x38;
	[tilespmem:$0x17200] =	vst v63  }
0x15: {  	_ =	swait.ge [sflag:s12], $0x2A00  }
0x16: {  	[sflag:s12] =	ssyncset.done $0x0  }
0x17: {  	[sflag:s12] =	ssyncadd.s32 $0xFFFFD600  }
0x18: {  	[tilespmem:s13], [sflag:$0x5] =	stream.linear.gather [hbm4b:s8+s3], $0x2A00, $0x38;
	[tilespmem:$0x17200] =	vst v63  }
0x19: {  	_ =	swait.ge [sflag:s12], $0x2A00  }
0x1a: {  	[sflag:s12] =	ssyncset.done $0x0  }
0x1b: {  	[sflag:s12] =	ssyncadd.s32 $0xFFFFD600  }
0x1c: {  	s24 =	simm.s32 $0x0;
	[bflag:$0x0] =	sbarrier.arrive $0xFFFF  }
0x1d: {  	[tilespmem:s15], [sflag:$0x1] =	stream.indirect.gather [hbm4b:s4+s14], $0x40, s24, s14, $0xb8;
	[tilespmem:$0x17200] =	vst v63  }
0x1e: {  	s31 =	simm.s32 $0x80  }
0x1f: {  	[tilespmem:s16], [sflag:$0x2] =	stream.indirect.gather [hbm4b:s4+s14], $0x40, s31, s14, $0xb8;
	[tilespmem:$0x17200] =	vst v63  }
0x20: {  	s25 =	simm.s32 $0x100  }
0x21: {  	[tilespmem:s17], [sflag:$0x3] =	stream.indirect.gather [hbm4b:s4+s14], $0x40, s25, s14, $0xb8;
	[tilespmem:$0x17200] =	vst v63  }
0x22: {  	s26 =	simm.s32 $0x180  }
0x23: {  	[tilespmem:s18], [sflag:$0x4] =	stream.indirect.gather [hbm4b:s4+s14], $0x40, s26, s14, $0xb8;
	[tilespmem:$0x17200] =	vst v63  }
0x24: {  	_ =	swait.ge [sflag:s19], $0x2000  }
0x25: {  	[sflag:s19] =	ssyncset.done $0x0  }
0x26: {  	[sflag:s19] =	ssyncadd.s32 $0xFFFFE000  }
0x27: {  	_ =	swait.ge [sflag:s20], $0x2000  }
0x28: {  	[sflag:s20] =	ssyncset.done $0x0  }
0x29: {  	[sflag:s20] =	ssyncadd.s32 $0xFFFFE000  }
0x2a: {  	_ =	swait.ge [sflag:s21], $0x2000  }
0x2b: {  	[sflag:s21] =	ssyncset.done $0x0  }
0x2c: {  	[sflag:s21] =	ssyncadd.s32 $0xFFFFE000  }
0x2d: {  	_ =	swait.ge [sflag:s22], $0x2000  }
0x2e: {  	[sflag:s22] =	ssyncset.done $0x0  }
0x2f: {  	s28 =	simm.s32 $0x2A00;
	[sflag:s22] =	ssyncadd.s32 $0xFFFFE000  }
0x30: {  	[spmem:s2] =	stream.indirect.scatter.add.f32 [tilespmem:s15], [sflag:$0x1], $0x40, s28, s14, $0xb8;
	[tilespmem:$0x17200] =	vst v63  }
0x31: {  	s29 =	simm.s32 $0x2A80  }
0x32: {  	[spmem:s2] =	stream.indirect.scatter.add.f32 [tilespmem:s16], [sflag:$0x2], $0x40, s29, s14, $0xb8;
	[tilespmem:$0x17200] =	vst v63  }
0x33: {  	s30 =	simm.s32 $0x2B00  }
0x34: {  	[spmem:s2] =	stream.indirect.scatter.add.f32 [tilespmem:s17], [sflag:$0x3], $0x40, s30, s14, $0xb8;
	[tilespmem:$0x17200] =	vst v63  }
0x35: {  	s31 =	simm.s32 $0x2B80  }
0x36: {  	[spmem:s2] =	stream.indirect.scatter.add.f32 [tilespmem:s18], [sflag:$0x4], $0x40, s31, s14, $0xb8;
	[tilespmem:$0x17200] =	vst v63  }
0x37: {  	_ =	swait.ge [sflag:s19], $0x2000  }
0x38: {  	[sflag:s19] =	ssyncset.done $0x0  }
0x39: {  	[sflag:s19] =	ssyncadd.s32 $0xFFFFE000  }
0x3a: {  	_ =	swait.ge [sflag:s20], $0x2000  }
0x3b: {  	[sflag:s20] =	ssyncset.done $0x0  }
0x3c: {  	[sflag:s20] =	ssyncadd.s32 $0xFFFFE000  }
0x3d: {  	_ =	swait.ge [sflag:s21], $0x2000  }
0x3e: {  	[sflag:s21] =	ssyncset.done $0x0  }
0x3f: {  	[sflag:s21] =	ssyncadd.s32 $0xFFFFE000  }
0x40: {  	_ =	swait.ge [sflag:s22], $0x2000  }
0x41: {  	s24 =	simm.s32 $0x800;
	s26 =	simm.s32 $0x1000;
	[sflag:s22] =	ssyncset.done $0x0  }
.LBB2_2:
0x42: {  	s28 =	sshra.s32 s24, $0x2  }
0x43: {  	[sflag:s22] =	ssyncadd.s32 $0xFFFFE000;
	s24 =	smov.u32 s26;
	s25 =	sadd.s32 $0x800, s26  }
0x44: {  	[tilespmem:s15], [sflag:$0x1] =	stream.indirect.gather [hbm4b:s4+s14], $0x40, s28, s14, $0xb8;
	[tilespmem:$0x17200] =	vst v63  }
0x45: {  	p0 =	sne.s32 s26, $0x9800;
	s26 =	sadd.s32 $0x80, s28  }
0x46: {  	[tilespmem:s16], [sflag:$0x2] =	stream.indirect.gather [hbm4b:s4+s14], $0x40, s26, s14, $0xb8;
	[tilespmem:$0x17200] =	vst v63  }
0x47: {  	s26 =	sadd.s32 $0x100, s28  }
0x48: {  	[tilespmem:s17], [sflag:$0x3] =	stream.indirect.gather [hbm4b:s4+s14], $0x40, s26, s14, $0xb8;
	[tilespmem:$0x17200] =	vst v63  }
0x49: {  	s26 =	sadd.s32 $0x180, s28  }
0x4a: {  	[tilespmem:s18], [sflag:$0x4] =	stream.indirect.gather [hbm4b:s4+s14], $0x40, s26, s14, $0xb8;
	[tilespmem:$0x17200] =	vst v63  }
0x4b: {  	_ =	swait.ge [sflag:s19], $0x2000  }
0x4c: {  	[sflag:s19] =	ssyncset.done $0x0  }
0x4d: {  	[sflag:s19] =	ssyncadd.s32 $0xFFFFE000  }
0x4e: {  	_ =	swait.ge [sflag:s20], $0x2000  }
0x4f: {  	[sflag:s20] =	ssyncset.done $0x0  }
0x50: {  	[sflag:s20] =	ssyncadd.s32 $0xFFFFE000  }
0x51: {  	_ =	swait.ge [sflag:s21], $0x2000  }
0x52: {  	[sflag:s21] =	ssyncset.done $0x0  }
0x53: {  	[sflag:s21] =	ssyncadd.s32 $0xFFFFE000  }
0x54: {  	_ =	swait.ge [sflag:s22], $0x2000  }
0x55: {  	[sflag:s22] =	ssyncset.done $0x0  }
0x56: {  	s26 =	sadd.s32 $0x2A00, s28;
	[sflag:s22] =	ssyncadd.s32 $0xFFFFE000  }
0x57: {  	[spmem:s2] =	stream.indirect.scatter.add.f32 [tilespmem:s15], [sflag:$0x1], $0x40, s26, s14, $0xb8;
	[tilespmem:$0x17200] =	vst v63  }
0x58: {  	s26 =	sadd.s32 $0x2A80, s28  }
0x59: {  	[spmem:s2] =	stream.indirect.scatter.add.f32 [tilespmem:s16], [sflag:$0x2], $0x40, s26, s14, $0xb8;
	[tilespmem:$0x17200] =	vst v63  }
0x5a: {  	s26 =	sadd.s32 $0x2B00, s28  }
0x5b: {  	[spmem:s2] =	stream.indirect.scatter.add.f32 [tilespmem:s17], [sflag:$0x3], $0x40, s26, s14, $0xb8;
	[tilespmem:$0x17200] =	vst v63  }
0x5c: {  	s26 =	sadd.s32 $0x2B80, s28  }
0x5d: {  	[spmem:s2] =	stream.indirect.scatter.add.f32 [tilespmem:s18], [sflag:$0x4], $0x40, s26, s14, $0xb8;
	[tilespmem:$0x17200] =	vst v63  }
0x5e: {  	_ =	swait.ge [sflag:s19], $0x2000  }
0x5f: {  	[sflag:s19] =	ssyncset.done $0x0  }
0x60: {  	[sflag:s19] =	ssyncadd.s32 $0xFFFFE000  }
0x61: {  	_ =	swait.ge [sflag:s20], $0x2000  }
0x62: {  	[sflag:s20] =	ssyncset.done $0x0  }
0x63: {  	[sflag:s20] =	ssyncadd.s32 $0xFFFFE000  }
.Ltmp0:
0x64: {  	_ =	swait.ge [sflag:s21], $0x2000;
	(pc) =	sbr.rel @p0 .LBB2_2-.Ltmp0, $4  }
0x65: {  	[sflag:s21] =	ssyncset.done $0x0  }
0x66: {  	[sflag:s21] =	ssyncadd.s32 $0xFFFFE000  }
0x67: {  	_ =	swait.ge [sflag:s22], $0x2000  }
0x68: {  	s26 =	smov.u32 s25;
	[sflag:s22] =	ssyncset.done $0x0  }
0x69: {  	s24 =	sshra.s32 s24, $0x2;
	[sflag:s22] =	ssyncadd.s32 $0xFFFFE000  }
0x6a: {  	[tilespmem:s15], [sflag:$0x1] =	stream.indirect.gather [hbm4b:s4+s14], $0x40, s24, s14, $0xb8;
	[tilespmem:$0x17200] =	vst v63  }
0x6b: {  	s25 =	sadd.s32 $0x80, s24  }
0x6c: {  	[tilespmem:s16], [sflag:$0x2] =	stream.indirect.gather [hbm4b:s4+s14], $0x40, s25, s14, $0xb8;
	[tilespmem:$0x17200] =	vst v63  }
0x6d: {  	s26 =	sadd.s32 $0x100, s24  }
0x6e: {  	[tilespmem:s17], [sflag:$0x3] =	stream.indirect.gather [hbm4b:s4+s14], $0x40, s26, s14, $0xb8;
	[tilespmem:$0x17200] =	vst v63  }
0x6f: {  	s28 =	sadd.s32 $0x180, s24  }
0x70: {  	[tilespmem:s18], [sflag:$0x4] =	stream.indirect.gather [hbm4b:s4+s14], $0x40, s28, s14, $0xb8;
	[tilespmem:$0x17200] =	vst v63  }
0x71: {  	_ =	swait.ge [sflag:s19], $0x2000  }
0x72: {  	[sflag:s19] =	ssyncset.done $0x0  }
0x73: {  	[sflag:s19] =	ssyncadd.s32 $0xFFFFE000  }
0x74: {  	_ =	swait.ge [sflag:s20], $0x2000  }
0x75: {  	[sflag:s20] =	ssyncset.done $0x0  }
0x76: {  	[sflag:s20] =	ssyncadd.s32 $0xFFFFE000  }
0x77: {  	_ =	swait.ge [sflag:s21], $0x2000  }
0x78: {  	[sflag:s21] =	ssyncset.done $0x0  }
0x79: {  	[sflag:s21] =	ssyncadd.s32 $0xFFFFE000  }
0x7a: {  	_ =	swait.ge [sflag:s22], $0x2000  }
0x7b: {  	[sflag:s22] =	ssyncset.done $0x0  }
0x7c: {  	s29 =	sadd.s32 $0x2A00, s24;
	[sflag:s22] =	ssyncadd.s32 $0xFFFFE000  }
0x7d: {  	[spmem:s2] =	stream.indirect.scatter.add.f32 [tilespmem:s15], [sflag:$0x1], $0x40, s29, s14, $0xb8;
	[tilespmem:$0x17200] =	vst v63  }
0x7e: {  	s30 =	sadd.s32 $0x2A80, s24  }
0x7f: {  	[spmem:s2] =	stream.indirect.scatter.add.f32 [tilespmem:s16], [sflag:$0x2], $0x40, s30, s14, $0xb8;
	[tilespmem:$0x17200] =	vst v63  }
0x80: {  	s31 =	sadd.s32 $0x2B00, s24  }
0x81: {  	[spmem:s2] =	stream.indirect.scatter.add.f32 [tilespmem:s17], [sflag:$0x3], $0x40, s31, s14, $0xb8;
	[tilespmem:$0x17200] =	vst v63  }
0x82: {  	s24 =	sadd.s32 $0x2B80, s24  }
0x83: {  	[spmem:s2] =	stream.indirect.scatter.add.f32 [tilespmem:s18], [sflag:$0x4], $0x40, s24, s14, $0xb8;
	[tilespmem:$0x17200] =	vst v63  }
0x84: {  	_ =	swait.ge [sflag:s19], $0x2000  }
0x85: {  	[sflag:s19] =	ssyncset.done $0x0  }
0x86: {  	[sflag:s19] =	ssyncadd.s32 $0xFFFFE000  }
0x87: {  	_ =	swait.ge [sflag:s20], $0x2000  }
0x88: {  	[sflag:s20] =	ssyncset.done $0x0  }
0x89: {  	[sflag:s20] =	ssyncadd.s32 $0xFFFFE000  }
0x8a: {  	_ =	swait.ge [sflag:s21], $0x2000  }
0x8b: {  	[sflag:s21] =	ssyncset.done $0x0  }
0x8c: {  	[sflag:s21] =	ssyncadd.s32 $0xFFFFE000  }
0x8d: {  	_ =	swait.ge [sflag:s22], $0x2000  }
0x8e: {  	s23 =	sadd.s32 $0x1, s23;
	[sflag:s22] =	ssyncset.done $0x0  }
0x8f: {  	p0 =	sne.s32 s23, s10;
	[sflag:s22] =	ssyncadd.s32 $0xFFFFE000  }
.Ltmp1:
0x90: {  	[bflag:$0x0] =	sbarrier.arrive $0xFFFF;
	(pc) =	sbr.rel @p0 .LBB2_1-.Ltmp1, $4  }
0x91: {  	[hbm:s9], [sflag:s6] =	dma.local [spmem:s11], $0x13C0  }
0x92: {  	_ =	swait.ge [sflag:s12], $0x13C0  }
0x93: {  	[sflag:s12] =	ssyncset.done $0x0  }
0x94: {  	[sflag:s12] =	ssyncadd.s32 $0xFFFFEC40  }
0x95: {  	_ =	sfence.sel $0x180000  }
0x96: {  	[bflag:$0x0] =	sbarrier.arrive $0xFFFF  }
0x97: {  	p0 =	sne.s32 s1, $0x0;
	_ =	strace $0x9000004A  }
0x98: {  	s0 =	sadd.s32 @!p0 $0x100000, s0;
	[bflag:$0x2] =	sbarrier.arrive $0xFFFF  }
0x99: {  	[sflag:s0] =	ssyncadd.tile.s32 @!p0 $0x1;
	_ =	shalt  }
.Lfunc_end2:
_tile_overlayer_lowered:
.L_overlay_start_2:
0x9a: {  	(tag) =	ssettag $0x2  }
0x9b: {  	s0 =	rddreg [dreg:$0x0];
	s2 =	stileid.u32  }
0x9c: {  	s1 =	rddreg [dreg:$0x1];
	p0 =	sne.s32 s2, $0x0  }
0x9d: {  	s3 =	rddreg [dreg:$0x2];
	[bflag:$0x3] =	sbarrier.arrive $0xFFFF;
	s2 =	simm.s32 @!p0 $0x1C05  }
0x9e: {  	[timem:s3], [sflag:s2] =	dma.local @!p0 [hbm:s0], s1  }
0x9f: {  	s0 =	simm.s32 @!p0 $0x5  }
0xa0: {  	_ =	swait.ge @!p0 [sflag:s0], s1  }
0xa1: {  	s1 =	ssub.s32 @!p0 $0x0, s1;
	[sflag:s0] =	ssyncset.done @!p0 $0x0  }
0xa2: {  	[sflag:s0] =	ssyncadd.s32 @!p0 s1  }
0xa3: {  	[bflag:$0x3] =	sbarrier.arrive $0xFFFF  }
0xa4: {  	_ =	shalt  }

</sc_bundles>
